<compile_context>
chip_gen: v7x
topology: tpu7x:2x2x1
jax: 0.10.2.dev20260603
libtpu: 0.0.44.dev20260713+nightly
codegen_flags: <defaults>
</compile_context>

<pallas_src>
import functools

import jax
import jax.numpy as jnp
from jax import lax
from jax.experimental import pallas as pl
from jax.experimental.pallas import tpu as pltpu
from jax.experimental.pallas import tpu_sc as plsc

F = 26
V = 100000
D = 32
B = 16384
CD = 64

NC = 2
NS = 16
NW = NC * NS
TR = F * D
RPW = TR // NW
XRW = CD // NW
OCH = 4096
NV = B // 16


def _body(xT, valsT, tabR, outT, row_v, idx_v, out_v, sem_r, sem_o, sem_x):
    wid = lax.axis_index("s") * NC + lax.axis_index("c")

    xcps = [
        pltpu.async_copy(
            xT.at[wid * XRW + k], outT.at[TR + wid * XRW + k], sem_x
        )
        for k in range(XRW)
    ]

    def do_row(j, prev_f):
        r = wid * RPW + j
        f = lax.div(r, D)
        rcps = [pltpu.async_copy(tabR.at[r], row_v, sem_r)]

        @pl.when(f != prev_f)
        def _():
            pltpu.sync_copy(valsT.at[f], idx_v)

        for rcp in rcps:
            rcp.wait()
        cps = [None, None]
        for q in range(B // OCH):
            s = q % 2
            if cps[s] is not None:
                cps[s].wait()

            @plsc.parallel_loop(0, OCH // 16, 1, unroll=16)
            def gath(i):
                vv = idx_v[pl.ds(q * OCH + i * 16, 16)]
                out_v[s, pl.ds(i * 16, 16)] = plsc.load_gather(row_v, [vv])

            cps[s] = pltpu.async_copy(
                out_v.at[s], outT.at[r, pl.ds(q * OCH, OCH)], sem_o
            )
        for cp in cps:
            cp.wait()
        return f

    lax.fori_loop(0, RPW, do_row, jnp.int32(-1))
    for cp in xcps:
        cp.wait()


@jax.jit
def _run(xT, valsT, tabR):
    mesh = plsc.VectorSubcoreMesh(core_axis_name="c", subcore_axis_name="s")
    kern = functools.partial(
        pl.kernel,
        out_type=jax.ShapeDtypeStruct((TR + CD, B), jnp.float32),
        mesh=mesh,
        compiler_params=pltpu.CompilerParams(needs_layout_passes=False),
        scratch_types=[
            pltpu.VMEM((V,), jnp.float32),
            pltpu.VMEM((B,), jnp.int32),
            pltpu.VMEM((2, OCH), jnp.float32),
            pltpu.SemaphoreType.DMA,
            pltpu.SemaphoreType.DMA,
            pltpu.SemaphoreType.DMA,
        ],
    )(_body)
    return kern(xT, valsT, tabR)


def kernel(x, values, tables):
    tabR = jnp.swapaxes(tables, 1, 2).reshape(TR, V)
    valsT = values.T
    xT = x.T
    outT = _run(xT, valsT, tabR)
    return outT.T

# --- scband reference (transcript-rebuilt; emitter-appended) ---
"""Pipeline reference for scband-input-module-78838419685453 (READ-ONLY COPY).

The authoritative reference and input builder live on the scoring server;
editing this copy changes nothing except your own understanding.
"""

import jax, jax.numpy as jnp
import numpy as np

NUM_FIELDS = 26
VOCAB = 100000
EMB = 32
BATCH = 16384
CONT_DIM = 64


def setup_inputs(seed: int = 0) -> dict:
    key = jax.random.key(seed)
    k1, k2, k3 = jax.random.split(key, 3)
    x = jax.random.normal(k1, (BATCH, CONT_DIM), dtype=jnp.float32)
    values = jax.random.randint(k2, (BATCH, NUM_FIELDS), 0, VOCAB, dtype=jnp.int32)
    # 26 embedding tables, each [VOCAB, EMB], stacked into one array [F, V, D]
    tables = jax.random.normal(k3, (NUM_FIELDS, VOCAB, EMB), dtype=jnp.float32)
    return {"x": x, "values": values, "tables": tables}


def reference(x, values, tables):
    # per-field embedding lookup: tables[ix][values[:, ix]] for each field ix
    emb = jax.vmap(lambda t, v: jnp.take(t, v, axis=0), in_axes=(0, 1), out_axes=1)(tables, values)  # [B, F, D]
    B = x.shape[0]
    emb = emb.reshape(B, NUM_FIELDS * EMB)
    # torch code concatenates embeddings first, then x, along dim=1
    return jnp.concatenate([emb, x], axis=1)

if __name__ == "__main__":
    import jax
    _d = setup_inputs()
    print(jax.jit(kernel)(*tuple(_d.values())))

</pallas_src>

<mosaic_0001>
#map = affine_map<(d0, d1) -> (0, 0)>
module attributes {stable_mosaic.version = 14 : i64} {
  func.func @_body(%arg0: i32, %arg1: i32, %arg2: memref<64x16384xf32, #tpu.memory_space<hbm>>, %arg3: memref<26x16384xi32, #tpu.memory_space<hbm>>, %arg4: memref<832x100000xf32, #tpu.memory_space<hbm>>, %arg5: memref<896x16384xf32, #tpu.memory_space<hbm>>, %arg6: memref<100000xf32, #tpu.memory_space<vmem>>, %arg7: memref<16384xi32, #tpu.memory_space<vmem>>, %arg8: memref<2x4096xf32, #tpu.memory_space<vmem>>, %arg9: memref<!tpu.dma_semaphore, #tpu.memory_space<semaphore_mem>>, %arg10: memref<!tpu.dma_semaphore, #tpu.memory_space<semaphore_mem>>, %arg11: memref<!tpu.dma_semaphore, #tpu.memory_space<semaphore_mem>>) attributes {dimension_semantics = [#tpu.dimension_semantics<core_parallel>, #tpu.dimension_semantics<subcore_parallel>], iteration_bounds = array<i64: 2, 16>, scalar_prefetch = 0 : i64, scratch_operands = 6 : i64, tpu.core_type = #tpu.core_type<sc_vector_subcore>, window_params = [{transform_indices = #map}, {transform_indices = #map}, {transform_indices = #map}, {transform_indices = #map}]} {
    %mul3A = arith.constant 2 : i32
    %mul3A_0 = arith.muli %arg1, %mul3A : i32
    %add3A = arith.addi %mul3A_0, %arg0 : i32
    %mul3A_1 = arith.constant 2 : i32
    %mul3A_2 = arith.muli %add3A, %mul3A_1 : i32
    %add3A_3 = arith.constant 0 : i32
    %add3A_4 = arith.addi %mul3A_2, %add3A_3 : i32
    %mul3A_5 = arith.constant 2 : i32
    %mul3A_6 = arith.muli %add3A, %mul3A_5 : i32
    %add3A_7 = arith.constant 832 : i32
    %add3A_8 = arith.addi %add3A_7, %mul3A_6 : i32
    %add3A_9 = arith.constant 0 : i32
    %add3A_10 = arith.addi %add3A_8, %add3A_9 : i32
    %dma_start3A = arith.constant 0 : i32
    %dma_start3A_11 = tpu.memref_slice %arg5[%add3A_10, %dma_start3A] : memref<896x16384xf32, #tpu.memory_space<hbm>> -> memref<1x16384xf32, #tpu.memory_space<hbm>>
    %dma_start3A_12 = tpu.memref_squeeze %dma_start3A_11 : memref<1x16384xf32, #tpu.memory_space<hbm>> -> memref<16384xf32, #tpu.memory_space<hbm>>
    %dma_start3A_13 = arith.constant 0 : i32
    %dma_start3A_14 = tpu.memref_slice %arg2[%add3A_4, %dma_start3A_13] : memref<64x16384xf32, #tpu.memory_space<hbm>> -> memref<1x16384xf32, #tpu.memory_space<hbm>>
    %dma_start3A_15 = tpu.memref_squeeze %dma_start3A_14 : memref<1x16384xf32, #tpu.memory_space<hbm>> -> memref<16384xf32, #tpu.memory_space<hbm>>
    tpu.enqueue_dma source(%dma_start3A_15 : memref<16384xf32, #tpu.memory_space<hbm>>) target(%dma_start3A_12 : memref<16384xf32, #tpu.memory_space<hbm>>) target_semaphore(%arg11 : memref<!tpu.dma_semaphore, #tpu.memory_space<semaphore_mem>>)
    %mul3A_16 = arith.constant 2 : i32
    %mul3A_17 = arith.muli %add3A, %mul3A_16 : i32
    %add3A_18 = arith.constant 1 : i32
    %add3A_19 = arith.addi %mul3A_17, %add3A_18 : i32
    %mul3A_20 = arith.constant 2 : i32
    %mul3A_21 = arith.muli %add3A, %mul3A_20 : i32
    %add3A_22 = arith.constant 832 : i32
    %add3A_23 = arith.addi %add3A_22, %mul3A_21 : i32
    %add3A_24 = arith.constant 1 : i32
    %add3A_25 = arith.addi %add3A_23, %add3A_24 : i32
    %dma_start3A_26 = arith.constant 0 : i32
    %dma_start3A_27 = tpu.memref_slice %arg5[%add3A_25, %dma_start3A_26] : memref<896x16384xf32, #tpu.memory_space<hbm>> -> memref<1x16384xf32, #tpu.memory_space<hbm>>
    %dma_start3A_28 = tpu.memref_squeeze %dma_start3A_27 : memref<1x16384xf32, #tpu.memory_space<hbm>> -> memref<16384xf32, #tpu.memory_space<hbm>>
    %dma_start3A_29 = arith.constant 0 : i32
    %dma_start3A_30 = tpu.memref_slice %arg2[%add3A_19, %dma_start3A_29] : memref<64x16384xf32, #tpu.memory_space<hbm>> -> memref<1x16384xf32, #tpu.memory_space<hbm>>
    %dma_start3A_31 = tpu.memref_squeeze %dma_start3A_30 : memref<1x16384xf32, #tpu.memory_space<hbm>> -> memref<16384xf32, #tpu.memory_space<hbm>>
    tpu.enqueue_dma source(%dma_start3A_31 : memref<16384xf32, #tpu.memory_space<hbm>>) target(%dma_start3A_28 : memref<16384xf32, #tpu.memory_space<hbm>>) target_semaphore(%arg11 : memref<!tpu.dma_semaphore, #tpu.memory_space<semaphore_mem>>)
    %scan3A = arith.constant -1 : i32
    %scan3A_32 = arith.constant 0 : i32
    %scan3A_33 = arith.constant 26 : i32
    %scan3A_34 = arith.addi %scan3A_32, %scan3A_33 : i32
    %scan3A_35 = arith.constant 1 : i32
    %scan3A_36 = scf.for %scan3A_49 = %scan3A_32 to %scan3A_34 step %scan3A_35 iter_args(%scan3A_50 = %scan3A) -> (i32)  : i32 {
      %mul3A_51 = arith.constant 26 : i32
      %mul3A_52 = arith.muli %add3A, %mul3A_51 : i32
      %add3A_53 = arith.addi %mul3A_52, %scan3A_49 : i32
      %div3A = arith.constant 32 : i32
      %div3A_54 = arith.divsi %add3A_53, %div3A : i32
      %dma_start3A_55 = arith.constant 0 : i32
      %dma_start3A_56 = tpu.memref_slice %arg4[%add3A_53, %dma_start3A_55] : memref<832x100000xf32, #tpu.memory_space<hbm>> -> memref<1x100000xf32, #tpu.memory_space<hbm>>
      %dma_start3A_57 = tpu.memref_squeeze %dma_start3A_56 : memref<1x100000xf32, #tpu.memory_space<hbm>> -> memref<100000xf32, #tpu.memory_space<hbm>>
      %dma_start3A_58 = arith.constant 0 : i32
      %dma_start3A_59 = tpu.memref_slice %arg4[%add3A_53, %dma_start3A_58] : memref<832x100000xf32, #tpu.memory_space<hbm>> -> memref<1x100000xf32, #tpu.memory_space<hbm>>
      %dma_start3A_60 = tpu.memref_squeeze %dma_start3A_59 : memref<1x100000xf32, #tpu.memory_space<hbm>> -> memref<100000xf32, #tpu.memory_space<hbm>>
      tpu.enqueue_dma source(%dma_start3A_60 : memref<100000xf32, #tpu.memory_space<hbm>>) target(%arg6 : memref<100000xf32, #tpu.memory_space<vmem>>) target_semaphore(%arg9 : memref<!tpu.dma_semaphore, #tpu.memory_space<semaphore_mem>>)
      %ne3A = arith.cmpi ne, %div3A_54, %scan3A_50 : i32
      %convert_element_type3A = arith.extui %ne3A : i1 to i32
      %cond3A = arith.constant 0 : i32
      %cond3A_61 = arith.cmpi ne, %convert_element_type3A, %cond3A : i32
      scf.if %cond3A_61 {
        "tpu.region"() ({
          %run_scoped3A = tpu.sem_alloc : memref<!tpu.dma_semaphore, #tpu.memory_space<semaphore_mem>>
          %dma_start3A_183 = arith.constant 0 : i32
          %dma_start3A_184 = tpu.memref_slice %arg3[%div3A_54, %dma_start3A_183] : memref<26x16384xi32, #tpu.memory_space<hbm>> -> memref<1x16384xi32, #tpu.memory_space<hbm>>
          %dma_start3A_185 = tpu.memref_squeeze %dma_start3A_184 : memref<1x16384xi32, #tpu.memory_space<hbm>> -> memref<16384xi32, #tpu.memory_space<hbm>>
          %dma_start3A_186 = arith.constant 0 : i32
          %dma_start3A_187 = tpu.memref_slice %arg3[%div3A_54, %dma_start3A_186] : memref<26x16384xi32, #tpu.memory_space<hbm>> -> memref<1x16384xi32, #tpu.memory_space<hbm>>
          %dma_start3A_188 = tpu.memref_squeeze %dma_start3A_187 : memref<1x16384xi32, #tpu.memory_space<hbm>> -> memref<16384xi32, #tpu.memory_space<hbm>>
          tpu.enqueue_dma source(%dma_start3A_188 : memref<16384xi32, #tpu.memory_space<hbm>>) target(%arg7 : memref<16384xi32, #tpu.memory_space<vmem>>) target_semaphore(%run_scoped3A : memref<!tpu.dma_semaphore, #tpu.memory_space<semaphore_mem>>)
          %dma_wait3A_189 = arith.constant 0 : i32
          %dma_wait3A_190 = tpu.memref_slice %arg3[%div3A_54, %dma_wait3A_189] : memref<26x16384xi32, #tpu.memory_space<hbm>> -> memref<1x16384xi32, #tpu.memory_space<hbm>>
          %dma_wait3A_191 = tpu.memref_squeeze %dma_wait3A_190 : memref<1x16384xi32, #tpu.memory_space<hbm>> -> memref<16384xi32, #tpu.memory_space<hbm>>
          %dma_wait3A_192 = arith.constant 0 : i32
          %dma_wait3A_193 = tpu.memref_slice %arg3[%div3A_54, %dma_wait3A_192] : memref<26x16384xi32, #tpu.memory_space<hbm>> -> memref<1x16384xi32, #tpu.memory_space<hbm>>
          %dma_wait3A_194 = tpu.memref_squeeze %dma_wait3A_193 : memref<1x16384xi32, #tpu.memory_space<hbm>> -> memref<16384xi32, #tpu.memory_space<hbm>>
          tpu.wait_dma2 semaphore(%run_scoped3A : memref<!tpu.dma_semaphore, #tpu.memory_space<semaphore_mem>>) src(%dma_wait3A_194 : memref<16384xi32, #tpu.memory_space<hbm>>) dst(%arg7 : memref<16384xi32, #tpu.memory_space<vmem>>)
          tpu.yield
        }) : () -> ()
      } else {
      }
      %dma_wait3A_62 = arith.constant 0 : i32
      %dma_wait3A_63 = tpu.memref_slice %arg4[%add3A_53, %dma_wait3A_62] : memref<832x100000xf32, #tpu.memory_space<hbm>> -> memref<1x100000xf32, #tpu.memory_space<hbm>>
      %dma_wait3A_64 = tpu.memref_squeeze %dma_wait3A_63 : memref<1x100000xf32, #tpu.memory_space<hbm>> -> memref<100000xf32, #tpu.memory_space<hbm>>
      %dma_wait3A_65 = arith.constant 0 : i32
      %dma_wait3A_66 = tpu.memref_slice %arg4[%add3A_53, %dma_wait3A_65] : memref<832x100000xf32, #tpu.memory_space<hbm>> -> memref<1x100000xf32, #tpu.memory_space<hbm>>
      %dma_wait3A_67 = tpu.memref_squeeze %dma_wait3A_66 : memref<1x100000xf32, #tpu.memory_space<hbm>> -> memref<100000xf32, #tpu.memory_space<hbm>>
      tpu.wait_dma2 semaphore(%arg9 : memref<!tpu.dma_semaphore, #tpu.memory_space<semaphore_mem>>) src(%dma_wait3A_67 : memref<100000xf32, #tpu.memory_space<hbm>>) dst(%arg6 : memref<100000xf32, #tpu.memory_space<vmem>>)
      %parallel_loop3A = arith.constant 0 : i32
      %parallel_loop3A_68 = arith.constant 256 : i32
      %parallel_loop3A_69 = arith.constant 1 : i32
      scf.for %parallel_loop3A_183 = %parallel_loop3A to %parallel_loop3A_68 step %parallel_loop3A_69  : i32 {
        %parallel_loop3A_184 = arith.constant 16 : i32
        %parallel_loop3A_185 = arith.muli %parallel_loop3A_183, %parallel_loop3A_184 : i32
        %parallel_loop3A_186 = arith.constant 0 : i32
        %parallel_loop3A_187 = arith.addi %parallel_loop3A_186, %parallel_loop3A_185 : i32
        %parallel_loop3A_188 = arith.index_cast %parallel_loop3A_187 : i32 to index
        %parallel_loop3A_189 = tpu.vector_load %arg7[%parallel_loop3A_188] {strides = array<i32>} : memref<16384xi32, #tpu.memory_space<vmem>>, vector<16xi32>,
        %parallel_loop3A_190 = tpu.vector_load_idx %arg6[%parallel_loop3A_189] : memref<100000xf32, #tpu.memory_space<vmem>>[vector<16xi32>], vector<16xf32>,
        %parallel_loop3A_191 = arith.constant 16 : i32
        %parallel_loop3A_192 = arith.muli %parallel_loop3A_183, %parallel_loop3A_191 : i32
        %parallel_loop3A_193 = arith.constant 0 : i32
        %parallel_loop3A_194 = arith.index_cast %parallel_loop3A_193 : i32 to index
        %parallel_loop3A_195 = arith.index_cast %parallel_loop3A_192 : i32 to index
        %parallel_loop3A_196 = tpu.vector_load %arg8[%parallel_loop3A_194, %parallel_loop3A_195] {strides = array<i32>} : memref<2x4096xf32, #tpu.memory_space<vmem>>, vector<16xf32>,
        tpu.vector_store %arg8[%parallel_loop3A_194, %parallel_loop3A_195], %parallel_loop3A_190 {strides = array<i32>} : memref<2x4096xf32, #tpu.memory_space<vmem>>, vector<16xf32>,
      } {sc.loop_unroll_factor = 16 : i64, sc.parallel_access}
      %dma_start3A_70 = arith.constant 0 : i32
      %dma_start3A_71 = arith.constant 0 : i32
      %dma_start3A_72 = tpu.memref_slice %arg8[%dma_start3A_70, %dma_start3A_71] : memref<2x4096xf32, #tpu.memory_space<vmem>> -> memref<1x4096xf32, #tpu.memory_space<vmem>>
      %dma_start3A_73 = tpu.memref_squeeze %dma_start3A_72 : memref<1x4096xf32, #tpu.memory_space<vmem>> -> memref<4096xf32, #tpu.memory_space<vmem>>
      %dma_start3A_74 = arith.constant 0 : i32
      %dma_start3A_75 = tpu.memref_slice %arg5[%add3A_53, %dma_start3A_74] : memref<896x16384xf32, #tpu.memory_space<hbm>> -> memref<1x4096xf32, #tpu.memory_space<hbm>>
      %dma_start3A_76 = tpu.memref_squeeze %dma_start3A_75 : memref<1x4096xf32, #tpu.memory_space<hbm>> -> memref<4096xf32, #tpu.memory_space<hbm>>
      %dma_start3A_77 = arith.constant 0 : i32
      %dma_start3A_78 = tpu.memref_slice %arg5[%add3A_53, %dma_start3A_77] : memref<896x16384xf32, #tpu.memory_space<hbm>> -> memref<1x4096xf32, #tpu.memory_space<hbm>>
      %dma_start3A_79 = tpu.memref_squeeze %dma_start3A_78 : memref<1x4096xf32, #tpu.memory_space<hbm>> -> memref<4096xf32, #tpu.memory_space<hbm>>
      %dma_start3A_80 = arith.constant 0 : i32
      %dma_start3A_81 = tpu.memref_slice %arg8[%dma_start3A_70, %dma_start3A_80] : memref<2x4096xf32, #tpu.memory_space<vmem>> -> memref<1x4096xf32, #tpu.memory_space<vmem>>
      %dma_start3A_82 = tpu.memref_squeeze %dma_start3A_81 : memref<1x4096xf32, #tpu.memory_space<vmem>> -> memref<4096xf32, #tpu.memory_space<vmem>>
      tpu.enqueue_dma source(%dma_start3A_82 : memref<4096xf32, #tpu.memory_space<vmem>>) target(%dma_start3A_79 : memref<4096xf32, #tpu.memory_space<hbm>>) target_semaphore(%arg10 : memref<!tpu.dma_semaphore, #tpu.memory_space<semaphore_mem>>)
      %parallel_loop3A_83 = arith.constant 0 : i32
      %parallel_loop3A_84 = arith.constant 256 : i32
      %parallel_loop3A_85 = arith.constant 1 : i32
      scf.for %parallel_loop3A_183 = %parallel_loop3A_83 to %parallel_loop3A_84 step %parallel_loop3A_85  : i32 {
        %parallel_loop3A_184 = arith.constant 16 : i32
        %parallel_loop3A_185 = arith.muli %parallel_loop3A_183, %parallel_loop3A_184 : i32
        %parallel_loop3A_186 = arith.constant 4096 : i32
        %parallel_loop3A_187 = arith.addi %parallel_loop3A_186, %parallel_loop3A_185 : i32
        %parallel_loop3A_188 = arith.index_cast %parallel_loop3A_187 : i32 to index
        %parallel_loop3A_189 = tpu.vector_load %arg7[%parallel_loop3A_188] {strides = array<i32>} : memref<16384xi32, #tpu.memory_space<vmem>>, vector<16xi32>,
        %parallel_loop3A_190 = tpu.vector_load_idx %arg6[%parallel_loop3A_189] : memref<100000xf32, #tpu.memory_space<vmem>>[vector<16xi32>], vector<16xf32>,
        %parallel_loop3A_191 = arith.constant 16 : i32
        %parallel_loop3A_192 = arith.muli %parallel_loop3A_183, %parallel_loop3A_191 : i32
        %parallel_loop3A_193 = arith.constant 1 : i32
        %parallel_loop3A_194 = arith.index_cast %parallel_loop3A_193 : i32 to index
        %parallel_loop3A_195 = arith.index_cast %parallel_loop3A_192 : i32 to index
        %parallel_loop3A_196 = tpu.vector_load %arg8[%parallel_loop3A_194, %parallel_loop3A_195] {strides = array<i32>} : memref<2x4096xf32, #tpu.memory_space<vmem>>, vector<16xf32>,
        tpu.vector_store %arg8[%parallel_loop3A_194, %parallel_loop3A_195], %parallel_loop3A_190 {strides = array<i32>} : memref<2x4096xf32, #tpu.memory_space<vmem>>, vector<16xf32>,
      } {sc.loop_unroll_factor = 16 : i64, sc.parallel_access}
      %dma_start3A_86 = arith.constant 1 : i32
      %dma_start3A_87 = arith.constant 0 : i32
      %dma_start3A_88 = tpu.memref_slice %arg8[%dma_start3A_86, %dma_start3A_87] : memref<2x4096xf32, #tpu.memory_space<vmem>> -> memref<1x4096xf32, #tpu.memory_space<vmem>>
      %dma_start3A_89 = tpu.memref_squeeze %dma_start3A_88 : memref<1x4096xf32, #tpu.memory_space<vmem>> -> memref<4096xf32, #tpu.memory_space<vmem>>
      %dma_start3A_90 = arith.constant 4096 : i32
      %dma_start3A_91 = tpu.memref_slice %arg5[%add3A_53, %dma_start3A_90] : memref<896x16384xf32, #tpu.memory_space<hbm>> -> memref<1x4096xf32, #tpu.memory_space<hbm>>
      %dma_start3A_92 = tpu.memref_squeeze %dma_start3A_91 : memref<1x4096xf32, #tpu.memory_space<hbm>> -> memref<4096xf32, #tpu.memory_space<hbm>>
      %dma_start3A_93 = arith.constant 4096 : i32
      %dma_start3A_94 = tpu.memref_slice %arg5[%add3A_53, %dma_start3A_93] : memref<896x16384xf32, #tpu.memory_space<hbm>> -> memref<1x4096xf32, #tpu.memory_space<hbm>>
      %dma_start3A_95 = tpu.memref_squeeze %dma_start3A_94 : memref<1x4096xf32, #tpu.memory_space<hbm>> -> memref<4096xf32, #tpu.memory_space<hbm>>
      %dma_start3A_96 = arith.constant 0 : i32
      %dma_start3A_97 = tpu.memref_slice %arg8[%dma_start3A_86, %dma_start3A_96] : memref<2x4096xf32, #tpu.memory_space<vmem>> -> memref<1x4096xf32, #tpu.memory_space<vmem>>
      %dma_start3A_98 = tpu.memref_squeeze %dma_start3A_97 : memref<1x4096xf32, #tpu.memory_space<vmem>> -> memref<4096xf32, #tpu.memory_space<vmem>>
      tpu.enqueue_dma source(%dma_start3A_98 : memref<4096xf32, #tpu.memory_space<vmem>>) target(%dma_start3A_95 : memref<4096xf32, #tpu.memory_space<hbm>>) target_semaphore(%arg10 : memref<!tpu.dma_semaphore, #tpu.memory_space<semaphore_mem>>)
      %dma_wait3A_99 = arith.constant 0 : i32
      %dma_wait3A_100 = arith.constant 0 : i32
      %dma_wait3A_101 = tpu.memref_slice %arg8[%dma_wait3A_99, %dma_wait3A_100] : memref<2x4096xf32, #tpu.memory_space<vmem>> -> memref<1x4096xf32, #tpu.memory_space<vmem>>
      %dma_wait3A_102 = tpu.memref_squeeze %dma_wait3A_101 : memref<1x4096xf32, #tpu.memory_space<vmem>> -> memref<4096xf32, #tpu.memory_space<vmem>>
      %dma_wait3A_103 = arith.constant 0 : i32
      %dma_wait3A_104 = tpu.memref_slice %arg5[%add3A_53, %dma_wait3A_103] : memref<896x16384xf32, #tpu.memory_space<hbm>> -> memref<1x4096xf32, #tpu.memory_space<hbm>>
      %dma_wait3A_105 = tpu.memref_squeeze %dma_wait3A_104 : memref<1x4096xf32, #tpu.memory_space<hbm>> -> memref<4096xf32, #tpu.memory_space<hbm>>
      %dma_wait3A_106 = arith.constant 0 : i32
      %dma_wait3A_107 = tpu.memref_slice %arg5[%add3A_53, %dma_wait3A_106] : memref<896x16384xf32, #tpu.memory_space<hbm>> -> memref<1x4096xf32, #tpu.memory_space<hbm>>
      %dma_wait3A_108 = tpu.memref_squeeze %dma_wait3A_107 : memref<1x4096xf32, #tpu.memory_space<hbm>> -> memref<4096xf32, #tpu.memory_space<hbm>>
      %dma_wait3A_109 = arith.constant 0 : i32
      %dma_wait3A_110 = tpu.memref_slice %arg8[%dma_wait3A_99, %dma_wait3A_109] : memref<2x4096xf32, #tpu.memory_space<vmem>> -> memref<1x4096xf32, #tpu.memory_space<vmem>>
      %dma_wait3A_111 = tpu.memref_squeeze %dma_wait3A_110 : memref<1x4096xf32, #tpu.memory_space<vmem>> -> memref<4096xf32, #tpu.memory_space<vmem>>
      tpu.wait_dma2 semaphore(%arg10 : memref<!tpu.dma_semaphore, #tpu.memory_space<semaphore_mem>>) src(%dma_wait3A_111 : memref<4096xf32, #tpu.memory_space<vmem>>) dst(%dma_wait3A_108 : memref<4096xf32, #tpu.memory_space<hbm>>)
      %parallel_loop3A_112 = arith.constant 0 : i32
      %parallel_loop3A_113 = arith.constant 256 : i32
      %parallel_loop3A_114 = arith.constant 1 : i32
      scf.for %parallel_loop3A_183 = %parallel_loop3A_112 to %parallel_loop3A_113 step %parallel_loop3A_114  : i32 {
        %parallel_loop3A_184 = arith.constant 16 : i32
        %parallel_loop3A_185 = arith.muli %parallel_loop3A_183, %parallel_loop3A_184 : i32
        %parallel_loop3A_186 = arith.constant 8192 : i32
        %parallel_loop3A_187 = arith.addi %parallel_loop3A_186, %parallel_loop3A_185 : i32
        %parallel_loop3A_188 = arith.index_cast %parallel_loop3A_187 : i32 to index
        %parallel_loop3A_189 = tpu.vector_load %arg7[%parallel_loop3A_188] {strides = array<i32>} : memref<16384xi32, #tpu.memory_space<vmem>>, vector<16xi32>,
        %parallel_loop3A_190 = tpu.vector_load_idx %arg6[%parallel_loop3A_189] : memref<100000xf32, #tpu.memory_space<vmem>>[vector<16xi32>], vector<16xf32>,
        %parallel_loop3A_191 = arith.constant 16 : i32
        %parallel_loop3A_192 = arith.muli %parallel_loop3A_183, %parallel_loop3A_191 : i32
        %parallel_loop3A_193 = arith.constant 0 : i32
        %parallel_loop3A_194 = arith.index_cast %parallel_loop3A_193 : i32 to index
        %parallel_loop3A_195 = arith.index_cast %parallel_loop3A_192 : i32 to index
        %parallel_loop3A_196 = tpu.vector_load %arg8[%parallel_loop3A_194, %parallel_loop3A_195] {strides = array<i32>} : memref<2x4096xf32, #tpu.memory_space<vmem>>, vector<16xf32>,
        tpu.vector_store %arg8[%parallel_loop3A_194, %parallel_loop3A_195], %parallel_loop3A_190 {strides = array<i32>} : memref<2x4096xf32, #tpu.memory_space<vmem>>, vector<16xf32>,
      } {sc.loop_unroll_factor = 16 : i64, sc.parallel_access}
      %dma_start3A_115 = arith.constant 0 : i32
      %dma_start3A_116 = arith.constant 0 : i32
      %dma_start3A_117 = tpu.memref_slice %arg8[%dma_start3A_115, %dma_start3A_116] : memref<2x4096xf32, #tpu.memory_space<vmem>> -> memref<1x4096xf32, #tpu.memory_space<vmem>>
      %dma_start3A_118 = tpu.memref_squeeze %dma_start3A_117 : memref<1x4096xf32, #tpu.memory_space<vmem>> -> memref<4096xf32, #tpu.memory_space<vmem>>
      %dma_start3A_119 = arith.constant 8192 : i32
      %dma_start3A_120 = tpu.memref_slice %arg5[%add3A_53, %dma_start3A_119] : memref<896x16384xf32, #tpu.memory_space<hbm>> -> memref<1x4096xf32, #tpu.memory_space<hbm>>
      %dma_start3A_121 = tpu.memref_squeeze %dma_start3A_120 : memref<1x4096xf32, #tpu.memory_space<hbm>> -> memref<4096xf32, #tpu.memory_space<hbm>>
      %dma_start3A_122 = arith.constant 8192 : i32
      %dma_start3A_123 = tpu.memref_slice %arg5[%add3A_53, %dma_start3A_122] : memref<896x16384xf32, #tpu.memory_space<hbm>> -> memref<1x4096xf32, #tpu.memory_space<hbm>>
      %dma_start3A_124 = tpu.memref_squeeze %dma_start3A_123 : memref<1x4096xf32, #tpu.memory_space<hbm>> -> memref<4096xf32, #tpu.memory_space<hbm>>
      %dma_start3A_125 = arith.constant 0 : i32
      %dma_start3A_126 = tpu.memref_slice %arg8[%dma_start3A_115, %dma_start3A_125] : memref<2x4096xf32, #tpu.memory_space<vmem>> -> memref<1x4096xf32, #tpu.memory_space<vmem>>
      %dma_start3A_127 = tpu.memref_squeeze %dma_start3A_126 : memref<1x4096xf32, #tpu.memory_space<vmem>> -> memref<4096xf32, #tpu.memory_space<vmem>>
      tpu.enqueue_dma source(%dma_start3A_127 : memref<4096xf32, #tpu.memory_space<vmem>>) target(%dma_start3A_124 : memref<4096xf32, #tpu.memory_space<hbm>>) target_semaphore(%arg10 : memref<!tpu.dma_semaphore, #tpu.memory_space<semaphore_mem>>)
      %dma_wait3A_128 = arith.constant 1 : i32
      %dma_wait3A_129 = arith.constant 0 : i32
      %dma_wait3A_130 = tpu.memref_slice %arg8[%dma_wait3A_128, %dma_wait3A_129] : memref<2x4096xf32, #tpu.memory_space<vmem>> -> memref<1x4096xf32, #tpu.memory_space<vmem>>
      %dma_wait3A_131 = tpu.memref_squeeze %dma_wait3A_130 : memref<1x4096xf32, #tpu.memory_space<vmem>> -> memref<4096xf32, #tpu.memory_space<vmem>>
      %dma_wait3A_132 = arith.constant 4096 : i32
      %dma_wait3A_133 = tpu.memref_slice %arg5[%add3A_53, %dma_wait3A_132] : memref<896x16384xf32, #tpu.memory_space<hbm>> -> memref<1x4096xf32, #tpu.memory_space<hbm>>
      %dma_wait3A_134 = tpu.memref_squeeze %dma_wait3A_133 : memref<1x4096xf32, #tpu.memory_space<hbm>> -> memref<4096xf32, #tpu.memory_space<hbm>>
      %dma_wait3A_135 = arith.constant 4096 : i32
      %dma_wait3A_136 = tpu.memref_slice %arg5[%add3A_53, %dma_wait3A_135] : memref<896x16384xf32, #tpu.memory_space<hbm>> -> memref<1x4096xf32, #tpu.memory_space<hbm>>
      %dma_wait3A_137 = tpu.memref_squeeze %dma_wait3A_136 : memref<1x4096xf32, #tpu.memory_space<hbm>> -> memref<4096xf32, #tpu.memory_space<hbm>>
      %dma_wait3A_138 = arith.constant 0 : i32
      %dma_wait3A_139 = tpu.memref_slice %arg8[%dma_wait3A_128, %dma_wait3A_138] : memref<2x4096xf32, #tpu.memory_space<vmem>> -> memref<1x4096xf32, #tpu.memory_space<vmem>>
      %dma_wait3A_140 = tpu.memref_squeeze %dma_wait3A_139 : memref<1x4096xf32, #tpu.memory_space<vmem>> -> memref<4096xf32, #tpu.memory_space<vmem>>
      tpu.wait_dma2 semaphore(%arg10 : memref<!tpu.dma_semaphore, #tpu.memory_space<semaphore_mem>>) src(%dma_wait3A_140 : memref<4096xf32, #tpu.memory_space<vmem>>) dst(%dma_wait3A_137 : memref<4096xf32, #tpu.memory_space<hbm>>)
      %parallel_loop3A_141 = arith.constant 0 : i32
      %parallel_loop3A_142 = arith.constant 256 : i32
      %parallel_loop3A_143 = arith.constant 1 : i32
      scf.for %parallel_loop3A_183 = %parallel_loop3A_141 to %parallel_loop3A_142 step %parallel_loop3A_143  : i32 {
        %parallel_loop3A_184 = arith.constant 16 : i32
        %parallel_loop3A_185 = arith.muli %parallel_loop3A_183, %parallel_loop3A_184 : i32
        %parallel_loop3A_186 = arith.constant 12288 : i32
        %parallel_loop3A_187 = arith.addi %parallel_loop3A_186, %parallel_loop3A_185 : i32
        %parallel_loop3A_188 = arith.index_cast %parallel_loop3A_187 : i32 to index
        %parallel_loop3A_189 = tpu.vector_load %arg7[%parallel_loop3A_188] {strides = array<i32>} : memref<16384xi32, #tpu.memory_space<vmem>>, vector<16xi32>,
        %parallel_loop3A_190 = tpu.vector_load_idx %arg6[%parallel_loop3A_189] : memref<100000xf32, #tpu.memory_space<vmem>>[vector<16xi32>], vector<16xf32>,
        %parallel_loop3A_191 = arith.constant 16 : i32
        %parallel_loop3A_192 = arith.muli %parallel_loop3A_183, %parallel_loop3A_191 : i32
        %parallel_loop3A_193 = arith.constant 1 : i32
        %parallel_loop3A_194 = arith.index_cast %parallel_loop3A_193 : i32 to index
        %parallel_loop3A_195 = arith.index_cast %parallel_loop3A_192 : i32 to index
        %parallel_loop3A_196 = tpu.vector_load %arg8[%parallel_loop3A_194, %parallel_loop3A_195] {strides = array<i32>} : memref<2x4096xf32, #tpu.memory_space<vmem>>, vector<16xf32>,
        tpu.vector_store %arg8[%parallel_loop3A_194, %parallel_loop3A_195], %parallel_loop3A_190 {strides = array<i32>} : memref<2x4096xf32, #tpu.memory_space<vmem>>, vector<16xf32>,
      } {sc.loop_unroll_factor = 16 : i64, sc.parallel_access}
      %dma_start3A_144 = arith.constant 1 : i32
      %dma_start3A_145 = arith.constant 0 : i32
      %dma_start3A_146 = tpu.memref_slice %arg8[%dma_start3A_144, %dma_start3A_145] : memref<2x4096xf32, #tpu.memory_space<vmem>> -> memref<1x4096xf32, #tpu.memory_space<vmem>>
      %dma_start3A_147 = tpu.memref_squeeze %dma_start3A_146 : memref<1x4096xf32, #tpu.memory_space<vmem>> -> memref<4096xf32, #tpu.memory_space<vmem>>
      %dma_start3A_148 = arith.constant 12288 : i32
      %dma_start3A_149 = tpu.memref_slice %arg5[%add3A_53, %dma_start3A_148] : memref<896x16384xf32, #tpu.memory_space<hbm>> -> memref<1x4096xf32, #tpu.memory_space<hbm>>
      %dma_start3A_150 = tpu.memref_squeeze %dma_start3A_149 : memref<1x4096xf32, #tpu.memory_space<hbm>> -> memref<4096xf32, #tpu.memory_space<hbm>>
      %dma_start3A_151 = arith.constant 12288 : i32
      %dma_start3A_152 = tpu.memref_slice %arg5[%add3A_53, %dma_start3A_151] : memref<896x16384xf32, #tpu.memory_space<hbm>> -> memref<1x4096xf32, #tpu.memory_space<hbm>>
      %dma_start3A_153 = tpu.memref_squeeze %dma_start3A_152 : memref<1x4096xf32, #tpu.memory_space<hbm>> -> memref<4096xf32, #tpu.memory_space<hbm>>
      %dma_start3A_154 = arith.constant 0 : i32
      %dma_start3A_155 = tpu.memref_slice %arg8[%dma_start3A_144, %dma_start3A_154] : memref<2x4096xf32, #tpu.memory_space<vmem>> -> memref<1x4096xf32, #tpu.memory_space<vmem>>
      %dma_start3A_156 = tpu.memref_squeeze %dma_start3A_155 : memref<1x4096xf32, #tpu.memory_space<vmem>> -> memref<4096xf32, #tpu.memory_space<vmem>>
      tpu.enqueue_dma source(%dma_start3A_156 : memref<4096xf32, #tpu.memory_space<vmem>>) target(%dma_start3A_153 : memref<4096xf32, #tpu.memory_space<hbm>>) target_semaphore(%arg10 : memref<!tpu.dma_semaphore, #tpu.memory_space<semaphore_mem>>)
      %dma_wait3A_157 = arith.constant 0 : i32
      %dma_wait3A_158 = arith.constant 0 : i32
      %dma_wait3A_159 = tpu.memref_slice %arg8[%dma_wait3A_157, %dma_wait3A_158] : memref<2x4096xf32, #tpu.memory_space<vmem>> -> memref<1x4096xf32, #tpu.memory_space<vmem>>
      %dma_wait3A_160 = tpu.memref_squeeze %dma_wait3A_159 : memref<1x4096xf32, #tpu.memory_space<vmem>> -> memref<4096xf32, #tpu.memory_space<vmem>>
      %dma_wait3A_161 = arith.constant 8192 : i32
      %dma_wait3A_162 = tpu.memref_slice %arg5[%add3A_53, %dma_wait3A_161] : memref<896x16384xf32, #tpu.memory_space<hbm>> -> memref<1x4096xf32, #tpu.memory_space<hbm>>
      %dma_wait3A_163 = tpu.memref_squeeze %dma_wait3A_162 : memref<1x4096xf32, #tpu.memory_space<hbm>> -> memref<4096xf32, #tpu.memory_space<hbm>>
      %dma_wait3A_164 = arith.constant 8192 : i32
      %dma_wait3A_165 = tpu.memref_slice %arg5[%add3A_53, %dma_wait3A_164] : memref<896x16384xf32, #tpu.memory_space<hbm>> -> memref<1x4096xf32, #tpu.memory_space<hbm>>
      %dma_wait3A_166 = tpu.memref_squeeze %dma_wait3A_165 : memref<1x4096xf32, #tpu.memory_space<hbm>> -> memref<4096xf32, #tpu.memory_space<hbm>>
      %dma_wait3A_167 = arith.constant 0 : i32
      %dma_wait3A_168 = tpu.memref_slice %arg8[%dma_wait3A_157, %dma_wait3A_167] : memref<2x4096xf32, #tpu.memory_space<vmem>> -> memref<1x4096xf32, #tpu.memory_space<vmem>>
      %dma_wait3A_169 = tpu.memref_squeeze %dma_wait3A_168 : memref<1x4096xf32, #tpu.memory_space<vmem>> -> memref<4096xf32, #tpu.memory_space<vmem>>
      tpu.wait_dma2 semaphore(%arg10 : memref<!tpu.dma_semaphore, #tpu.memory_space<semaphore_mem>>) src(%dma_wait3A_169 : memref<4096xf32, #tpu.memory_space<vmem>>) dst(%dma_wait3A_166 : memref<4096xf32, #tpu.memory_space<hbm>>)
      %dma_wait3A_170 = arith.constant 1 : i32
      %dma_wait3A_171 = arith.constant 0 : i32
      %dma_wait3A_172 = tpu.memref_slice %arg8[%dma_wait3A_170, %dma_wait3A_171] : memref<2x4096xf32, #tpu.memory_space<vmem>> -> memref<1x4096xf32, #tpu.memory_space<vmem>>
      %dma_wait3A_173 = tpu.memref_squeeze %dma_wait3A_172 : memref<1x4096xf32, #tpu.memory_space<vmem>> -> memref<4096xf32, #tpu.memory_space<vmem>>
      %dma_wait3A_174 = arith.constant 12288 : i32
      %dma_wait3A_175 = tpu.memref_slice %arg5[%add3A_53, %dma_wait3A_174] : memref<896x16384xf32, #tpu.memory_space<hbm>> -> memref<1x4096xf32, #tpu.memory_space<hbm>>
      %dma_wait3A_176 = tpu.memref_squeeze %dma_wait3A_175 : memref<1x4096xf32, #tpu.memory_space<hbm>> -> memref<4096xf32, #tpu.memory_space<hbm>>
      %dma_wait3A_177 = arith.constant 12288 : i32
      %dma_wait3A_178 = tpu.memref_slice %arg5[%add3A_53, %dma_wait3A_177] : memref<896x16384xf32, #tpu.memory_space<hbm>> -> memref<1x4096xf32, #tpu.memory_space<hbm>>
      %dma_wait3A_179 = tpu.memref_squeeze %dma_wait3A_178 : memref<1x4096xf32, #tpu.memory_space<hbm>> -> memref<4096xf32, #tpu.memory_space<hbm>>
      %dma_wait3A_180 = arith.constant 0 : i32
      %dma_wait3A_181 = tpu.memref_slice %arg8[%dma_wait3A_170, %dma_wait3A_180] : memref<2x4096xf32, #tpu.memory_space<vmem>> -> memref<1x4096xf32, #tpu.memory_space<vmem>>
      %dma_wait3A_182 = tpu.memref_squeeze %dma_wait3A_181 : memref<1x4096xf32, #tpu.memory_space<vmem>> -> memref<4096xf32, #tpu.memory_space<vmem>>
      tpu.wait_dma2 semaphore(%arg10 : memref<!tpu.dma_semaphore, #tpu.memory_space<semaphore_mem>>) src(%dma_wait3A_182 : memref<4096xf32, #tpu.memory_space<vmem>>) dst(%dma_wait3A_179 : memref<4096xf32, #tpu.memory_space<hbm>>)
      scf.yield %div3A_54 : i32
    }
    %scan3A_37 = arith.constant 26 : i32
    %dma_wait3A = arith.constant 0 : i32
    %dma_wait3A_38 = tpu.memref_slice %arg5[%add3A_10, %dma_wait3A] : memref<896x16384xf32, #tpu.memory_space<hbm>> -> memref<1x16384xf32, #tpu.memory_space<hbm>>
    %dma_wait3A_39 = tpu.memref_squeeze %dma_wait3A_38 : memref<1x16384xf32, #tpu.memory_space<hbm>> -> memref<16384xf32, #tpu.memory_space<hbm>>
    %dma_wait3A_40 = arith.constant 0 : i32
    %dma_wait3A_41 = tpu.memref_slice %arg2[%add3A_4, %dma_wait3A_40] : memref<64x16384xf32, #tpu.memory_space<hbm>> -> memref<1x16384xf32, #tpu.memory_space<hbm>>
    %dma_wait3A_42 = tpu.memref_squeeze %dma_wait3A_41 : memref<1x16384xf32, #tpu.memory_space<hbm>> -> memref<16384xf32, #tpu.memory_space<hbm>>
    tpu.wait_dma2 semaphore(%arg11 : memref<!tpu.dma_semaphore, #tpu.memory_space<semaphore_mem>>) src(%dma_wait3A_42 : memref<16384xf32, #tpu.memory_space<hbm>>) dst(%dma_wait3A_39 : memref<16384xf32, #tpu.memory_space<hbm>>)
    %dma_wait3A_43 = arith.constant 0 : i32
    %dma_wait3A_44 = tpu.memref_slice %arg5[%add3A_25, %dma_wait3A_43] : memref<896x16384xf32, #tpu.memory_space<hbm>> -> memref<1x16384xf32, #tpu.memory_space<hbm>>
    %dma_wait3A_45 = tpu.memref_squeeze %dma_wait3A_44 : memref<1x16384xf32, #tpu.memory_space<hbm>> -> memref<16384xf32, #tpu.memory_space<hbm>>
    %dma_wait3A_46 = arith.constant 0 : i32
    %dma_wait3A_47 = tpu.memref_slice %arg2[%add3A_19, %dma_wait3A_46] : memref<64x16384xf32, #tpu.memory_space<hbm>> -> memref<1x16384xf32, #tpu.memory_space<hbm>>
    %dma_wait3A_48 = tpu.memref_squeeze %dma_wait3A_47 : memref<1x16384xf32, #tpu.memory_space<hbm>> -> memref<16384xf32, #tpu.memory_space<hbm>>
    tpu.wait_dma2 semaphore(%arg11 : memref<!tpu.dma_semaphore, #tpu.memory_space<semaphore_mem>>) src(%dma_wait3A_48 : memref<16384xf32, #tpu.memory_space<hbm>>) dst(%dma_wait3A_45 : memref<16384xf32, #tpu.memory_space<hbm>>)
    return
  }
}

</mosaic_0001>

<sc_bundles>
// kernel: _run.3.cloned.1.call-start
scs
__scs_entry_jumppad:
0x0: {  	(pc) =	sbr.rel $0x88, $3  }
0x1: {  	(tag) =	ssettag $0x0;
	lr =	simm.s32 $0x1  }
0x2: {  	[smem:$0x3F9E] =	sst lr;
	_ =	strace $0xD0000000  }
0x3: {  	_ = 	snop  }
0x4: {  	_ = 	snop  }
0x5: {  	_ = 	snop  }
0x6: {  	_ = 	snop  }
0x7: {  	_ = 	snop  }
__scs_overlays_trampoline_lowered:
0x8: {  	[smem:$0x3FAD] =	sst s0  }
0x9: {  	[smem:$0x3FAE] =	sst s1  }
0xa: {  	[smem:$0x3FAF] =	sst s2  }
0xb: {  	[smem:$0x3FB0] =	sst s3  }
0xc: {  	[smem:$0x3FB1] =	sst s4  }
0xd: {  	[smem:$0x3FB2] =	sst s5  }
0xe: {  	[smem:$0x3FB3] =	sst s6  }
0xf: {  	[smem:$0x3FB4] =	sst s7  }
0x10: {  	[smem:$0x3FB5] =	sst s8  }
0x11: {  	[smem:$0x3FB6] =	sst s9;
	s0 =	simm.s32 @!p0 $0x0  }
0x12: {  	s1 =	sld [smem:$0x3F9C];
	s0 =	simm.s32 @p0 $0x1  }
0x13: {  	[smem:$0x3FB7] =	sst s0;
	s0 =	simm.s32 @!p1 $0x0  }
0x14: {  	s2 =	sld [smem:$0x3F9B];
	s0 =	simm.s32 @p1 $0x1  }
0x15: {  	[smem:$0x3FB8] =	sst s0;
	s0 =	simm.s32 @!p2 $0x0  }
0x16: {  	s3 =	sld [smem:$0x3FDB];
	s0 =	simm.s32 @p2 $0x1  }
0x17: {  	s4 =	simm.s32 $0x1BF5;
	[smem:$0x3FBA] =	sst s0  }
0x18: {  	s0 =	sld [smem:$0x3F9D];
	_ =	swait.ge [sflag:s4], $0x0  }
0x19: {  	s7 =	sld [smem:$0x3F9E]  }
0x1a: {  	s8 =	sadd.s32 $0xFFFFE003, lr  }
0x1b: {  	s9 =	sadd.s32 $0xFFFFFEF7, lr;
	s5 =	simm.s32 $0xFFFFFFFF;
	p2 =	slt.u32 s8, $0xFFFFF086  }
0x1c: {  	p1 =	slt.u32 s9, $0xF7A;
	s5 =	simm.s32 @!p2 $0x0  }
0x1d: {  	s5 =	simm.s32 @p1 $0x1;
	p0 =	seq.s32 s7, s2  }
0x1e: {  	s7 =	smul.u32 @!p0 $0xF7A, s2;
	p2 =	seq.s32 @!p0 s5, $0x0  }
0x1f: {  	s9 =	smul.u32 $0xF7A, s1;
	s8 =	simm.s32 @!p0 $0x1BF5;
	p2 =	por !p2, p0  }
0x20: {  	[sflag:s8] =	ssyncset.s32 @!p0 $0xFFFFF086;
	s6 =	sadd.s32 @!p0 s3, s7;
	s7 =	simm.s32 @!p0 $0x108  }
0x21: {  	s3 =	sadd.s32 s3, s9;
	s6 =	sadd.s32 @!p0 $0x88, s6;
	s7 =	simm.s32 @p2 $0x1082  }
0x22: {  	[simem:s7], [sflag:s8] =	dma.local @!p0 [hbm:s6], $0xF7A  }
0x23: {  	s9 =	sor.u32 $0xD0000000, s2;
	s6 =	simm.s32 $0x108;
	_ =	swait.ge @!p0 [sflag:s8], $0x0  }
0x24: {  	s3 =	sadd.s32 $0x88, s3;
	s6 =	simm.s32 @!p1 $0x1082;
	[sflag:s4] =	ssyncset.s32 $0xFFFFF086  }
0x25: {  	[simem:s6], [sflag:s4] =	dma.local [hbm:s3], $0xF7A  }
0x26: {  	[smem:$0x3F9E] =	sst s1;
	(tag) =	ssettag s2;
	_ =	strace s9  }
0x27: {  	s1 =	sld [smem:$0x3FAE]  }
0x28: {  	s2 =	sld [smem:$0x3FAF]  }
0x29: {  	s4 =	sld [smem:$0x3FB1]  }
0x2a: {  	p0 =	seq.s32 s5, $0x0;
	s5 =	sld [smem:$0x3FB2]  }
0x2b: {  	s6 =	sld [smem:$0x3FB3]  }
0x2c: {  	s7 =	sld [smem:$0x3FB4]  }
0x2d: {  	s3 =	simm.s32 $0x108;
	s8 =	sld [smem:$0x3FB5]  }
0x2e: {  	s3 =	simm.s32 @!p0 $0x1082;
	s9 =	sld [smem:$0x3FB6]  }
0x2f: {  	lr =	sadd.s32 s0, s3;
	s0 =	sld [smem:$0x3FAD]  }
0x30: {  	s3 =	sld [smem:$0x3FB0]  }
0x31: {  	[smem:$0x3FB9] =	sst s10  }
0x32: {  	s10 =	sld [smem:$0x3FB7];
	_ =	sdelay $0x3  }
0x33: {  	p0 =	seq.s32 s10, $0x1;
	s10 =	sld [smem:$0x3FB9];
	_ =	sdelay $0x3  }
0x34: {  	[smem:$0x3FB9] =	sst s10  }
0x35: {  	s10 =	sld [smem:$0x3FB8];
	_ =	sdelay $0x3  }
0x36: {  	p1 =	seq.s32 s10, $0x1;
	s10 =	sld [smem:$0x3FB9];
	_ =	sdelay $0x3  }
0x37: {  	[smem:$0x3FB9] =	sst s10  }
0x38: {  	s10 =	sld [smem:$0x3FBA]  }
0x39: {  	_ = 	snop;
	(pc) =	sbr.ind lr, $3  }
0x3a: {  	_ = 	snop  }
0x3b: {  	_ = 	snop  }
0x3c: {  	p2 =	seq.s32 s10, $0x1;
	s10 =	sld [smem:$0x3FB9]  }
0x3d: {  	_ =	shalt  }
0x3e: {  	_ =	shalt  }
0x3f: {  	_ =	shalt  }
0x40: {  	_ =	shalt  }
0x41: {  	_ =	shalt  }
0x42: {  	_ =	shalt  }
0x43: {  	_ =	shalt  }
0x44: {  	_ =	shalt  }
0x45: {  	_ =	shalt  }
0x46: {  	_ =	shalt  }
0x47: {  	_ =	shalt  }
0x48: {  	_ =	shalt  }
0x49: {  	_ =	shalt  }
0x4a: {  	_ =	shalt  }
0x4b: {  	_ =	shalt  }
0x4c: {  	_ =	shalt  }
0x4d: {  	_ =	shalt  }
0x4e: {  	_ =	shalt  }
0x4f: {  	_ =	shalt  }
0x50: {  	_ =	shalt  }
0x51: {  	_ =	shalt  }
0x52: {  	_ =	shalt  }
0x53: {  	_ =	shalt  }
0x54: {  	_ =	shalt  }
0x55: {  	_ =	shalt  }
0x56: {  	_ =	shalt  }
0x57: {  	_ =	shalt  }
0x58: {  	_ =	shalt  }
0x59: {  	_ =	shalt  }
0x5a: {  	_ =	shalt  }
0x5b: {  	_ =	shalt  }
0x5c: {  	_ =	shalt  }
0x5d: {  	_ =	shalt  }
0x5e: {  	_ =	shalt  }
0x5f: {  	_ =	shalt  }
0x60: {  	_ =	shalt  }
0x61: {  	_ =	shalt  }
0x62: {  	_ =	shalt  }
0x63: {  	_ =	shalt  }
0x64: {  	_ =	shalt  }
0x65: {  	_ =	shalt  }
0x66: {  	_ =	shalt  }
0x67: {  	_ =	shalt  }
0x68: {  	_ =	shalt  }
0x69: {  	_ =	shalt  }
0x6a: {  	_ =	shalt  }
0x6b: {  	_ =	shalt  }
0x6c: {  	_ =	shalt  }
0x6d: {  	_ =	shalt  }
0x6e: {  	_ =	shalt  }
0x6f: {  	_ =	shalt  }
0x70: {  	_ =	shalt  }
0x71: {  	_ =	shalt  }
0x72: {  	_ =	shalt  }
0x73: {  	_ =	shalt  }
0x74: {  	_ =	shalt  }
0x75: {  	_ =	shalt  }
0x76: {  	_ =	shalt  }
0x77: {  	_ =	shalt  }
0x78: {  	_ =	shalt  }
0x79: {  	_ =	shalt  }
0x7a: {  	_ =	shalt  }
0x7b: {  	_ =	shalt  }
0x7c: {  	_ =	shalt  }
0x7d: {  	_ =	shalt  }
0x7e: {  	_ =	shalt  }
0x7f: {  	_ =	shalt  }
0x80: {  	_ =	shalt  }
0x81: {  	_ =	shalt  }
0x82: {  	_ =	shalt  }
0x83: {  	_ =	shalt  }
0x84: {  	_ =	shalt  }
0x85: {  	_ =	shalt  }
0x86: {  	_ =	shalt  }
0x87: {  	_ =	shalt  }
.Lfunc_end0:
.L_simem_size_0:
called_computation_lowered:
.L_overlay_start_0:
0x88: {  	s2 =	sld [smem:$0x3FD9]  }
0x89: {  	s3 =	sld [smem:$0x3FFE];
	_ =	sdelay $0x1  }
0x8a: {  	s1 =	srdreg.scid  }
0x8b: {  	s0 =	sand.u32 $0x1, s1  }
0x8c: {  	s18 =	sshll.u32 s0, $0xA;
	s2 =	sadd.s32 s3, s2  }
0x8d: {  	s2 =	sadd.s32 s2, s18  }
0x8e: {  	[smem:$0x3FC5] =	sst s2  }
0x8f: {  	_ = 	snop  }
0x90: {  	s2 =	sld [smem:$0x3FC9]  }
0x91: {  	s19 =	sld [smem:$0x3FC8]  }
0x92: {  	s4 =	sld [smem:$0x3FC7]  }
0x93: {  	s5 =	sld [smem:$0x3FD0];
	(tm) =	ssettm $0x1  }
0x94: {  	s6 =	sld [smem:$0x3FFB];
	_ =	sdelay $0x3  }
0x95: {  	_ =	strace s6  }
0x96: {  	s6 =	sld [smem:$0x3FFC];
	_ =	sdelay $0x3  }
0x97: {  	_ =	strace s6  }
0x98: {  	s6 =	sld [smem:$0x3FFD];
	_ =	sdelay $0x3  }
0x99: {  	_ =	strace s6  }
0x9a: {  	_ =	strace $0x8FFFFFFF  }
0x9b: {  	s20 =	sld [smem:$0x3FDB];
	_ =	sdelay $0x1  }
0x9c: {  	s7 =	simm.s32 $_scs_section_size  }
0x9d: {  	s8 =	simm.s32 $_size__tile_overlayer_lowered;
	s9 =	simm.s32 $_tile_overlayer_lowered  }
0x9e: {  	s23 =	simm.s32 $0x1BFF;
	s22 =	sshll.u32 s9, $0x1;
	s6 =	sadd.s32 s7, s20  }
0x9f: {  	s10 =	simm.s32 $0x0;
	s21 =	sshll.u32 s8, $0x1;
	s8 =	sadd.s32 s22, s6  }
0xa0: {  	[timem:s10], [sflag:s23] =	dma.local [hbm:s8], s21  }
0xa1: {  	_ =	swait.ge [sflag:s23], s21  }
0xa2: {  	s7 =	ssub.s32 $0x0, s21;
	[sflag:s23] =	ssyncset.done $0x0  }
0xa3: {  	[sflag:s23] =	ssyncadd.s32 s7;
	_ =	sdelay $0x1  }
0xa4: {  	s24 =	simm.s32 $0x1B8B  }
0xa5: {  	_ =	swait.ge [sflag:s24], $0x1  }
0xa6: {  	[sflag:s24] =	ssyncset.done $0x0  }
0xa7: {  	s25 =	simm.s32 $0x1B8E;
	[sflag:s24] =	ssyncadd.s32 $0xFFFFFFFF  }
0xa8: {  	s26 =	simm.s32 $execute0_lowered;
	[smem:$0x3FD2] =	sst s25  }
0xa9: {  	s7 =	sshll.u32 s26, $0x1;
	_ =	strace $0x80000046;
	[dreg:$0x1] =	wrdreg $0xFFFFFFFF  }
0xaa: {  	s28 =	simm.s32 $_size_execute0_lowered;
	s6 =	sadd.s32 s6, s7;
	[dreg:$0x0] =	wrdreg $0x0  }
0xab: {  	s7 =	sshll.u32 s28, $0x1;
	[dreg:$0x2] =	wrdreg s6  }
0xac: {  	[dreg:$0x3] =	wrdreg s7  }
0xad: {  	[dreg:$0x4] =	wrdreg $0xC0  }
0xae: {  	_ =	task [dreg:s10], $0x5FFFF  }
0xaf: {  	[dreg:$0x1] =	wrdreg $0xFFFFFFFF  }
0xb0: {  	[dreg:$0x0] =	wrdreg $0x60  }
0xb1: {  	[dreg:$0x2] =	wrdreg s2  }
0xb2: {  	[dreg:$0x3] =	wrdreg s19  }
0xb3: {  	[dreg:$0x4] =	wrdreg s4  }
0xb4: {  	[dreg:$0x5] =	wrdreg s5  }
0xb5: {  	[dreg:$0x6] =	wrdreg $0x9  }
0xb6: {  	_ =	task.clear_ibuf [dreg:s10], $0x7FFFF;
	_ =	strace $0x90000046  }
0xb7: {  	s29 =	simm.s32 $0x9;
	_ =	strace $0x80000048  }
0xb8: {  	_ =	swait.ge [sflag:s29], $0x1  }
0xb9: {  	[sflag:s29] =	ssyncadd.s32 $0xFFFFFFFF  }
0xba: {  	_ =	strace $0x90000048  }
0xbb: {  	_ =	sfence  }
0xbc: {  	s30 =	sld [smem:$0x0];
	_ =	sdelay $0x2  }
0xbd: {  	s31 =	sshll.u32 s1, $0xD;
	s1 =	sshrl.u32 s1, $0x2  }
0xbe: {  	s3 =	sand.u32 $0x4000, s31;
	s1 =	sadd.s32 s1, s30  }
0xbf: {  	s0 =	sor.u32 s3, s0;
	s1 =	sshll.u32 s1, $0x11  }
0xc0: {  	s0 =	sor.u32 s1, s0  }
0xc1: {  	s0 =	sadd.s32 $0x8F2B, s0  }
0xc2: {  	[sflag:s0] =	ssyncadd.remote.s32 $0x1  }
0xc3: {  	_ =	sfence.sel $0xFFFF  }
0xc4: {  	[dreg:$0x0] =	wrdreg $0xFFFFFFFF;
	(pc) =	sbr.abs _section_cstart, $3  }
0xc5: {  	[dreg:$0x1] =	wrdreg $0xFFFFFFFF  }
0xc6: {  	_ =	task.clear_ibuf [dreg:s10], $0x2FFFF;
	_ =	strace $0x9FFFFFFF  }
0xc7: {  	(tm) =	ssettm $0x7FFFFFFF  }
tec
execute0_lowered:
.L_overlay_start_1:
0x0: {  	(tag) =	ssettag $0x1  }
0x1: {  	s7 =	rddreg [dreg:$0x0]  }
0x2: {  	s1 =	rddreg [dreg:$0x1]  }
0x3: {  	s3 =	rddreg [dreg:$0x2]  }
0x4: {  	s4 =	rddreg [dreg:$0x3]  }
0x5: {  	s0 =	rddreg [dreg:$0x4];
	s6 =	srdreg.scid  }
0x6: {  	s2 =	stileid.u32;
	s5 =	simm.s32 $0x0;
	s16 =	simm.s32 $0x1  }
0x7: {  	s17 =	simm.s32 $0x80;
	s18 =	simm.s32 $0x400;
	s19 =	simm.s32 $0x2  }
0x8: {  	s20 =	simm.s32 $0x3;
	s21 =	simm.s32 $0x0;
	s6 =	sand.u32 $0x1, s6  }
0x9: {  	s8 =	sshll.u32 s2, $0x1;
	[smem:$0x7FF] =	sst s5;
	s28 =	sshll.u32 s2, $0xD  }
0xa: {  	s12 =	sshll.u32 s2, $0x6;
	s13 =	sadd.s32 $0x2000, s4;
	s14 =	sadd.s32 $0x3000, s4  }
0xb: {  	s11 =	sor.u32 s6, s8;
	_ =	strace $0x80000047;
	s6 =	ssub.s32 $0x2, s6  }
0xc: {  	s9 =	sshll.u32 s11, $0x5;
	s10 =	sshll.u32 s11, $0x1;
	s29 =	sshrl.u32 s6, $0x1  }
0xd: {  	s11 =	smul.u32 $0x1A, s11;
	s8 =	sor.u32 s28, s9;
	s10 =	sor.u32 $0x341, s10  }
0xe: {  	s15 =	ssub.s32 s6, s29;
	s8 =	sand.u32 $0x1C060, s8;
	s31 =	sshll.u32 s10, $0x4  }
0xf: {  	s10 =	sshll.u32 s10, $0xB;
	s15 =	smax.u32 s15, $0x1;
	s30 =	sadd.s32 s8, s4  }
0x10: {  	s9 =	sand.u32 $0x70, s31;
	s10 =	sand.u32 $0x1BC000, s10;
	s7 =	sadd.s32 s7, s8  }
0x11: {  	s8 =	sor.u32 $0x1C03, s12;
	s12 =	sadd.s32 $0x1000, s4;
	s9 =	sadd.s32 s4, s9  }
0x12: {  	s6 =	sadd.s32 $0x1A0000, s30;
	s9 =	sadd.s32 s10, s9;
	s10 =	sadd.s32 $0x10, s7  }
.LBB2_1:
0x13: {  	[hbm:s6@s17], [sflag:s8] =	dma.strided [hbm:s7@s17], $0x800, s16, $0x10   }
0x14: {  	s23 =	simm.s32 $0xFFFFFFFF;
	s22 =	simm.s32 $0x0  }
0x15: {  	[hbm:s9@s17], [sflag:s8] =	dma.strided [hbm:s10@s17], $0x800, s16, $0x10   }
.LBB2_2:
0x16: {  	s26 =	sadd.s32 s11, s22  }
0x17: {  	s24 =	sshrl.u32 s26, $0x3  }
0x18: {  	s25 =	sshll.u32 s26, $0x7;
	s28 =	smul.u32 $0xC3800, s24  }
0x19: {  	s29 =	smov.u32 s23;
	s23 =	sshrl.u32 s26, $0x5;
	s25 =	sand.u32 $0x380, s25  }
0x1a: {  	p0 =	seq.s32 s23, s29;
	s28 =	sor.u32 s25, s28  }
0x1b: {  	s26 =	sshll.u32 @!p0 s23, $0x4;
	s28 =	sshrl.u32 s28, $0x3  }
0x1c: {  	s26 =	sand.u32 @!p0 $0x70, s26;
	s30 =	sadd.s32 s3, s28;
	s28 =	sshll.u32 @!p0 s23, $0xB  }
0x1d: {  	[tilespmem:s5], [sflag:$0x1] =	stream.strided.gather [hbm4b:s30+s17], $0x18700, s18, s17, $0x38;
	[tilespmem:$0x1E700] =	vst v63  }
0x1e: {  	s29 =	simm.s32 @!p0 $0x400;
	s26 =	sadd.s32 @!p0 s1, s26;
	s28 =	sand.u32 @!p0 $0xFFFC000, s28  }
0x1f: {  	s30 =	simm.s32 @!p0 $0x18700;
	s26 =	sadd.s32 @!p0 s28, s26;
	s28 =	simm.s32 @!p0 $0x80  }
0x20: {  	[tilespmem:s30], [sflag:$0x4] =	stream.strided.gather @!p0 [hbm4b:s26+s28], $0x4000, s29, s28, $0x38;
	[tilespmem:$0x1E700] =	vst v63  }
0x21: {  	s26 =	simm.s32 @!p0 $0x4  }
0x22: {  	_ =	swait.ge @!p0 [sflag:s26], $0x4000  }
0x23: {  	[sflag:s26] =	ssyncset.done @!p0 $0x0  }
0x24: {  	[sflag:s26] =	ssyncadd.s32 @!p0 $0xFFFFC000  }
0x25: {  	_ =	swait.ge [sflag:s16], $0x18700  }
0x26: {  	[sflag:s16] =	ssyncset.done $0x0  }
0x27: {  	s31 =	simm.s32 $0x18780;
	[sflag:s16] =	ssyncadd.s32 $0xFFFE7900  }
0x28: {  	v0 =	vld [tilespmem:s31+$0x70]  }
0x29: {  	v1 =	vld [tilespmem:s31+$0xFFFFFF90]  }
0x2a: {  	v2 =	vld [tilespmem:s31+$0xFFFFFFA0]  }
0x2b: {  	v3 =	vld [tilespmem:s31+$0xFFFFFFB0]  }
0x2c: {  	v4 =	vld [tilespmem:s31+$0xFFFFFFC0]  }
0x2d: {  	v5 =	vld [tilespmem:s31+$0xFFFFFFD0]  }
0x2e: {  	v6 =	vld [tilespmem:s31+$0xFFFFFFE0]  }
0x2f: {  	v7 =	vld [tilespmem:s31+$0xFFFFFFF0]  }
0x30: {  	v8 =	vld [tilespmem:s31+$0x0]  }
0x31: {  	v9 =	vld [tilespmem:s31+$0x10]  }
0x32: {  	v10 =	vld [tilespmem:s31+$0x20]  }
0x33: {  	v11 =	vld [tilespmem:s31+$0x30]  }
0x34: {  	v12 =	vld [tilespmem:s31+$0x40]  }
0x35: {  	v13 =	vld [tilespmem:s31+$0x50]  }
0x36: {  	v14 =	vld [tilespmem:s31+$0x60]  }
0x37: {  	v15 =	vld [tilespmem:s31+$0xFFFFFF80]  }
0x38: {  	v0 =	vld.idx.msk [tilespmem:v0+s5+$0x0], $0xffff  }
0x39: {  	v1 =	vld.idx.msk [tilespmem:v1+s5+$0x0], $0xffff  }
0x3a: {  	v2 =	vld.idx.msk [tilespmem:v2+s5+$0x0], $0xffff  }
0x3b: {  	v3 =	vld.idx.msk [tilespmem:v3+s5+$0x0], $0xffff  }
0x3c: {  	v4 =	vld.idx.msk [tilespmem:v4+s5+$0x0], $0xffff  }
0x3d: {  	s26 =	simm.s32 $0x1C800;
	v5 =	vld.idx.msk [tilespmem:v5+s5+$0x0], $0xffff  }
0x3e: {  	v6 =	vld.idx.msk [tilespmem:v6+s5+$0x0], $0xffff;
	[tilespmem:s26+$0x70] =	vst v0  }
0x3f: {  	v7 =	vld.idx.msk [tilespmem:v7+s5+$0x0], $0xffff;
	[tilespmem:s26+$0xFFFFFF10] =	vst v1  }
0x40: {  	v15 =	vld.idx.msk [tilespmem:v15+s5+$0x0], $0xffff;
	[tilespmem:s26+$0xFFFFFF20] =	vst v2  }
0x41: {  	v8 =	vld.idx.msk [tilespmem:v8+s5+$0x0], $0xffff;
	[tilespmem:s26+$0xFFFFFF30] =	vst v3  }
0x42: {  	[tilespmem:s26+$0xFFFFFF40] =	vst v4;
	v0 =	vld.idx.msk [tilespmem:v9+s5+$0x0], $0xffff  }
0x43: {  	[tilespmem:s26+$0xFFFFFF50] =	vst v5;
	v1 =	vld.idx.msk [tilespmem:v10+s5+$0x0], $0xffff  }
0x44: {  	[tilespmem:s26+$0xFFFFFF60] =	vst v6;
	v2 =	vld.idx.msk [tilespmem:v11+s5+$0x0], $0xffff  }
0x45: {  	[tilespmem:s26+$0xFFFFFF70] =	vst v7;
	v3 =	vld.idx.msk [tilespmem:v12+s5+$0x0], $0xffff  }
0x46: {  	[tilespmem:s26+$0xFFFFFF00] =	vst v15;
	v4 =	vld.idx.msk [tilespmem:v13+s5+$0x0], $0xffff  }
0x47: {  	s28 =	simm.s32 $0x0;
	s29 =	simm.s32 $0x18880;
	[tilespmem:s26+$0x0] =	vst v8;
	v5 =	vld.idx.msk [tilespmem:v14+s5+$0x0], $0xffff  }
.LBB2_3:
0x48: {  	v6 =	vld [tilespmem:s29+$0x70];
	s28 =	sadd.s32 $0x10, s28;
	[tilespmem:s26+$0x10] =	vst v0  }
0x49: {  	v0 =	vld [tilespmem:s29+$0xFFFFFF90];
	p0 =	slt.u32 s28, $0xF0;
	[tilespmem:s26+$0x20] =	vst v1  }
0x4a: {  	v1 =	vld [tilespmem:s29+$0xFFFFFFA0];
	[tilespmem:s26+$0x30] =	vst v2  }
0x4b: {  	v2 =	vld [tilespmem:s29+$0xFFFFFFB0];
	[tilespmem:s26+$0x40] =	vst v3  }
0x4c: {  	v3 =	vld [tilespmem:s29+$0xFFFFFFC0];
	[tilespmem:s26+$0x50] =	vst v4  }
0x4d: {  	v4 =	vld [tilespmem:s29+$0xFFFFFFD0];
	[tilespmem:s26+$0x60] =	vst v5  }
0x4e: {  	v5 =	vld [tilespmem:s29+$0xFFFFFFE0]  }
0x4f: {  	v7 =	vld [tilespmem:s29+$0xFFFFFFF0]  }
0x50: {  	v6 =	vld.idx.msk [tilespmem:v6+s5+$0x0], $0xffff  }
0x51: {  	v8 =	vld [tilespmem:s29+$0x0]  }
0x52: {  	v9 =	vld [tilespmem:s29+$0x10]  }
0x53: {  	v10 =	vld [tilespmem:s29+$0x20]  }
0x54: {  	v11 =	vld [tilespmem:s29+$0x30]  }
0x55: {  	s26 =	sadd.s32 $0x200, s26;
	v12 =	vld [tilespmem:s29+$0x40]  }
0x56: {  	v13 =	vld [tilespmem:s29+$0x50];
	[tilespmem:s26+$0x70] =	vst v6  }
0x57: {  	v6 =	vld [tilespmem:s29+$0x60]  }
0x58: {  	v14 =	vld [tilespmem:s29+$0xFFFFFF80]  }
0x59: {  	v0 =	vld.idx.msk [tilespmem:v0+s5+$0x0], $0xffff  }
0x5a: {  	v1 =	vld.idx.msk [tilespmem:v1+s5+$0x0], $0xffff  }
0x5b: {  	v2 =	vld.idx.msk [tilespmem:v2+s5+$0x0], $0xffff  }
0x5c: {  	v3 =	vld.idx.msk [tilespmem:v3+s5+$0x0], $0xffff  }
0x5d: {  	v4 =	vld.idx.msk [tilespmem:v4+s5+$0x0], $0xffff  }
0x5e: {  	v5 =	vld.idx.msk [tilespmem:v5+s5+$0x0], $0xffff  }
0x5f: {  	[tilespmem:s26+$0xFFFFFF10] =	vst v0;
	v7 =	vld.idx.msk [tilespmem:v7+s5+$0x0], $0xffff  }
0x60: {  	v14 =	vld.idx.msk [tilespmem:v14+s5+$0x0], $0xffff;
	[tilespmem:s26+$0xFFFFFF20] =	vst v1  }
0x61: {  	[tilespmem:s26+$0xFFFFFF30] =	vst v2;
	v8 =	vld.idx.msk [tilespmem:v8+s5+$0x0], $0xffff  }
0x62: {  	[tilespmem:s26+$0xFFFFFF40] =	vst v3;
	v0 =	vld.idx.msk [tilespmem:v9+s5+$0x0], $0xffff  }
.Ltmp0:
0x63: {  	[tilespmem:s26+$0xFFFFFF50] =	vst v4;
	v1 =	vld.idx.msk [tilespmem:v10+s5+$0x0], $0xffff;
	(pc) =	sbr.rel @p0 .LBB2_3-.Ltmp0, $4  }
0x64: {  	[tilespmem:s26+$0xFFFFFF60] =	vst v5;
	v2 =	vld.idx.msk [tilespmem:v11+s5+$0x0], $0xffff  }
0x65: {  	[tilespmem:s26+$0xFFFFFF70] =	vst v7;
	v3 =	vld.idx.msk [tilespmem:v12+s5+$0x0], $0xffff  }
0x66: {  	[tilespmem:s26+$0xFFFFFF00] =	vst v14;
	v4 =	vld.idx.msk [tilespmem:v13+s5+$0x0], $0xffff  }
0x67: {  	s29 =	sadd.s32 $0x100, s29;
	[tilespmem:s26+$0x0] =	vst v8;
	v5 =	vld.idx.msk [tilespmem:v6+s5+$0x0], $0xffff  }
0x68: {  	[tilespmem:s26+$0x10] =	vst v0  }
0x69: {  	[tilespmem:s26+$0x20] =	vst v1  }
0x6a: {  	s24 =	sshll.u32 s24, $0x11;
	[tilespmem:s26+$0x30] =	vst v2  }
0x6b: {  	s24 =	sor.u32 s25, s24;
	[tilespmem:s26+$0x40] =	vst v3  }
0x6c: {  	s24 =	sshrl.u32 s24, $0x3;
	[tilespmem:s26+$0x50] =	vst v4  }
0x6d: {  	s28 =	simm.s32 $0x1C700;
	s25 =	sadd.s32 s4, s24;
	[tilespmem:s26+$0x60] =	vst v5;
	s26 =	simm.s32 $0x0  }
.LBB2_5:
0x6e: {  	p0 =	sne.s32 s26, $0xF80  }
.Ltmp1:
0x6f: {  	_ = 	snop;
	(pc) =	sbr.rel @p0 .LBB2_5-.Ltmp1, $4  }
0x70: {  	_ = 	snop  }
0x71: {  	s29 =	sadd.s32 s26, s25  }
0x72: {  	[hbm4b:s29+s5] =	stream.linear.scatter [tilespmem:s28], [sflag:$0x2], $0x80, $0x38;
	[tilespmem:$0x1E700] =	vst v63  }
0x73: {  	s26 =	sadd.s32 $0x80, s26;
	s28 =	sadd.s32 $0x100, s28  }
0x74: {  	s25 =	simm.s32 $0x197F0  }
0x75: {  	v0 =	vld [tilespmem:s25+$0x0]  }
0x76: {  	v1 =	vld [tilespmem:s25+$0xFFFFFF20]  }
0x77: {  	v2 =	vld [tilespmem:s25+$0xFFFFFF30]  }
0x78: {  	v3 =	vld [tilespmem:s25+$0xFFFFFF40]  }
0x79: {  	v4 =	vld [tilespmem:s25+$0xFFFFFF50]  }
0x7a: {  	v5 =	vld [tilespmem:s25+$0xFFFFFF60]  }
0x7b: {  	v6 =	vld [tilespmem:s25+$0xFFFFFF70]  }
0x7c: {  	v7 =	vld [tilespmem:s25+$0xFFFFFF80]  }
0x7d: {  	v8 =	vld [tilespmem:s25+$0xFFFFFF90]  }
0x7e: {  	v9 =	vld [tilespmem:s25+$0xFFFFFFA0]  }
0x7f: {  	v10 =	vld [tilespmem:s25+$0xFFFFFFB0]  }
0x80: {  	v11 =	vld [tilespmem:s25+$0xFFFFFFC0]  }
0x81: {  	v12 =	vld [tilespmem:s25+$0xFFFFFFD0]  }
0x82: {  	v13 =	vld [tilespmem:s25+$0xFFFFFFE0]  }
0x83: {  	v14 =	vld [tilespmem:s25+$0xFFFFFFF0]  }
0x84: {  	v15 =	vld [tilespmem:s25+$0xFFFFFF10]  }
0x85: {  	v0 =	vld.idx.msk [tilespmem:v0+s5+$0x0], $0xffff  }
0x86: {  	v1 =	vld.idx.msk [tilespmem:v1+s5+$0x0], $0xffff  }
0x87: {  	v2 =	vld.idx.msk [tilespmem:v2+s5+$0x0], $0xffff  }
0x88: {  	v3 =	vld.idx.msk [tilespmem:v3+s5+$0x0], $0xffff  }
0x89: {  	v4 =	vld.idx.msk [tilespmem:v4+s5+$0x0], $0xffff  }
0x8a: {  	s25 =	simm.s32 $0x1C880;
	v5 =	vld.idx.msk [tilespmem:v5+s5+$0x0], $0xffff  }
0x8b: {  	v6 =	vld.idx.msk [tilespmem:v6+s5+$0x0], $0xffff;
	[tilespmem:s25+$0x70] =	vst v0  }
0x8c: {  	v7 =	vld.idx.msk [tilespmem:v7+s5+$0x0], $0xffff;
	[tilespmem:s25+$0xFFFFFF10] =	vst v1  }
0x8d: {  	v15 =	vld.idx.msk [tilespmem:v15+s5+$0x0], $0xffff;
	[tilespmem:s25+$0xFFFFFF20] =	vst v2  }
0x8e: {  	v8 =	vld.idx.msk [tilespmem:v8+s5+$0x0], $0xffff;
	[tilespmem:s25+$0xFFFFFF30] =	vst v3  }
0x8f: {  	[tilespmem:s25+$0xFFFFFF40] =	vst v4;
	v0 =	vld.idx.msk [tilespmem:v9+s5+$0x0], $0xffff  }
0x90: {  	[tilespmem:s25+$0xFFFFFF50] =	vst v5;
	v1 =	vld.idx.msk [tilespmem:v10+s5+$0x0], $0xffff  }
0x91: {  	[tilespmem:s25+$0xFFFFFF60] =	vst v6;
	v2 =	vld.idx.msk [tilespmem:v11+s5+$0x0], $0xffff  }
0x92: {  	[tilespmem:s25+$0xFFFFFF70] =	vst v7;
	v3 =	vld.idx.msk [tilespmem:v12+s5+$0x0], $0xffff  }
0x93: {  	[tilespmem:s25+$0xFFFFFF00] =	vst v15;
	v4 =	vld.idx.msk [tilespmem:v13+s5+$0x0], $0xffff  }
0x94: {  	s26 =	simm.s32 $0x0;
	s28 =	simm.s32 $0x198F0;
	[tilespmem:s25+$0x0] =	vst v8;
	v5 =	vld.idx.msk [tilespmem:v14+s5+$0x0], $0xffff  }
.LBB2_7:
0x95: {  	v6 =	vld [tilespmem:s28+$0x0];
	s26 =	sadd.s32 $0x10, s26;
	[tilespmem:s25+$0x10] =	vst v0  }
0x96: {  	v0 =	vld [tilespmem:s28+$0xFFFFFF20];
	p0 =	slt.u32 s26, $0xF0;
	[tilespmem:s25+$0x20] =	vst v1  }
0x97: {  	v1 =	vld [tilespmem:s28+$0xFFFFFF30];
	[tilespmem:s25+$0x30] =	vst v2  }
0x98: {  	v2 =	vld [tilespmem:s28+$0xFFFFFF40];
	[tilespmem:s25+$0x40] =	vst v3  }
0x99: {  	v3 =	vld [tilespmem:s28+$0xFFFFFF50];
	[tilespmem:s25+$0x50] =	vst v4  }
0x9a: {  	v4 =	vld [tilespmem:s28+$0xFFFFFF60];
	[tilespmem:s25+$0x60] =	vst v5  }
0x9b: {  	v5 =	vld [tilespmem:s28+$0xFFFFFF70]  }
0x9c: {  	v7 =	vld [tilespmem:s28+$0xFFFFFF80]  }
0x9d: {  	v6 =	vld.idx.msk [tilespmem:v6+s5+$0x0], $0xffff  }
0x9e: {  	v8 =	vld [tilespmem:s28+$0xFFFFFF90]  }
0x9f: {  	v9 =	vld [tilespmem:s28+$0xFFFFFFA0]  }
0xa0: {  	v10 =	vld [tilespmem:s28+$0xFFFFFFB0]  }
0xa1: {  	v11 =	vld [tilespmem:s28+$0xFFFFFFC0]  }
0xa2: {  	s25 =	sadd.s32 $0x200, s25;
	v12 =	vld [tilespmem:s28+$0xFFFFFFD0]  }
0xa3: {  	v13 =	vld [tilespmem:s28+$0xFFFFFFE0];
	[tilespmem:s25+$0x70] =	vst v6  }
0xa4: {  	v6 =	vld [tilespmem:s28+$0xFFFFFFF0]  }
0xa5: {  	v14 =	vld [tilespmem:s28+$0xFFFFFF10]  }
0xa6: {  	v0 =	vld.idx.msk [tilespmem:v0+s5+$0x0], $0xffff  }
0xa7: {  	v1 =	vld.idx.msk [tilespmem:v1+s5+$0x0], $0xffff  }
0xa8: {  	v2 =	vld.idx.msk [tilespmem:v2+s5+$0x0], $0xffff  }
0xa9: {  	v3 =	vld.idx.msk [tilespmem:v3+s5+$0x0], $0xffff  }
0xaa: {  	v4 =	vld.idx.msk [tilespmem:v4+s5+$0x0], $0xffff  }
0xab: {  	v5 =	vld.idx.msk [tilespmem:v5+s5+$0x0], $0xffff  }
0xac: {  	[tilespmem:s25+$0xFFFFFF10] =	vst v0;
	v7 =	vld.idx.msk [tilespmem:v7+s5+$0x0], $0xffff  }
0xad: {  	v14 =	vld.idx.msk [tilespmem:v14+s5+$0x0], $0xffff;
	[tilespmem:s25+$0xFFFFFF20] =	vst v1  }
0xae: {  	[tilespmem:s25+$0xFFFFFF30] =	vst v2;
	v8 =	vld.idx.msk [tilespmem:v8+s5+$0x0], $0xffff  }
0xaf: {  	[tilespmem:s25+$0xFFFFFF40] =	vst v3;
	v0 =	vld.idx.msk [tilespmem:v9+s5+$0x0], $0xffff  }
.Ltmp2:
0xb0: {  	[tilespmem:s25+$0xFFFFFF50] =	vst v4;
	v1 =	vld.idx.msk [tilespmem:v10+s5+$0x0], $0xffff;
	(pc) =	sbr.rel @p0 .LBB2_7-.Ltmp2, $4  }
0xb1: {  	[tilespmem:s25+$0xFFFFFF60] =	vst v5;
	v2 =	vld.idx.msk [tilespmem:v11+s5+$0x0], $0xffff  }
0xb2: {  	[tilespmem:s25+$0xFFFFFF70] =	vst v7;
	v3 =	vld.idx.msk [tilespmem:v12+s5+$0x0], $0xffff  }
0xb3: {  	[tilespmem:s25+$0xFFFFFF00] =	vst v14;
	v4 =	vld.idx.msk [tilespmem:v13+s5+$0x0], $0xffff  }
0xb4: {  	s28 =	sadd.s32 $0x100, s28;
	[tilespmem:s25+$0x0] =	vst v8;
	v5 =	vld.idx.msk [tilespmem:v6+s5+$0x0], $0xffff  }
0xb5: {  	[tilespmem:s25+$0x10] =	vst v0  }
0xb6: {  	[tilespmem:s25+$0x20] =	vst v1  }
0xb7: {  	[tilespmem:s25+$0x30] =	vst v2  }
0xb8: {  	[tilespmem:s25+$0x40] =	vst v3  }
0xb9: {  	s26 =	sadd.s32 s24, s12;
	s28 =	simm.s32 $0x1C780;
	[tilespmem:s25+$0x50] =	vst v4  }
0xba: {  	s29 =	simm.s32 $0x1C880;
	s30 =	sadd.s32 $0x0, s26;
	[tilespmem:s25+$0x60] =	vst v5;
	s25 =	simm.s32 $0x80  }
.LBB2_9:
0xbb: {  	[hbm4b:s30+s5] =	stream.linear.scatter [tilespmem:s28], [sflag:$0x2], $0x80, $0x38;
	[tilespmem:$0x1E700] =	vst v63  }
0xbc: {  	s30 =	smov.u32 s25;
	s28 =	smov.u32 s29;
	p0 =	sne.s32 s25, $0xF80  }
.Ltmp3:
0xbd: {  	s25 =	sadd.s32 $0x80, s25;
	(pc) =	sbr.rel @p0 .LBB2_9-.Ltmp3, $2  }
0xbe: {  	_ =	sdelay $0x2  }
0xbf: {  	s29 =	sadd.s32 $0x100, s29;
	s30 =	sadd.s32 s30, s26  }
0xc0: {  	[hbm4b:s30+s5] =	stream.linear.scatter [tilespmem:s28], [sflag:$0x2], $0x80, $0x38;
	[tilespmem:$0x1E700] =	vst v63  }
0xc1: {  	_ =	swait.ge [sflag:s19], $0x1000  }
0xc2: {  	[sflag:s19] =	ssyncset.done $0x0  }
0xc3: {  	s25 =	simm.s32 $0x1A7F0;
	[sflag:s19] =	ssyncadd.s32 $0xFFFFF000  }
0xc4: {  	v0 =	vld [tilespmem:s25+$0x0]  }
0xc5: {  	v1 =	vld [tilespmem:s25+$0xFFFFFF20]  }
0xc6: {  	v2 =	vld [tilespmem:s25+$0xFFFFFF30]  }
0xc7: {  	v3 =	vld [tilespmem:s25+$0xFFFFFF40]  }
0xc8: {  	v4 =	vld [tilespmem:s25+$0xFFFFFF50]  }
0xc9: {  	v5 =	vld [tilespmem:s25+$0xFFFFFF60]  }
0xca: {  	v6 =	vld [tilespmem:s25+$0xFFFFFF70]  }
0xcb: {  	v7 =	vld [tilespmem:s25+$0xFFFFFF80]  }
0xcc: {  	v8 =	vld [tilespmem:s25+$0xFFFFFF90]  }
0xcd: {  	v9 =	vld [tilespmem:s25+$0xFFFFFFA0]  }
0xce: {  	v10 =	vld [tilespmem:s25+$0xFFFFFFB0]  }
0xcf: {  	v11 =	vld [tilespmem:s25+$0xFFFFFFC0]  }
0xd0: {  	v12 =	vld [tilespmem:s25+$0xFFFFFFD0]  }
0xd1: {  	v13 =	vld [tilespmem:s25+$0xFFFFFFE0]  }
0xd2: {  	v14 =	vld [tilespmem:s25+$0xFFFFFFF0]  }
0xd3: {  	v15 =	vld [tilespmem:s25+$0xFFFFFF10]  }
0xd4: {  	v0 =	vld.idx.msk [tilespmem:v0+s5+$0x0], $0xffff  }
0xd5: {  	v1 =	vld.idx.msk [tilespmem:v1+s5+$0x0], $0xffff  }
0xd6: {  	v2 =	vld.idx.msk [tilespmem:v2+s5+$0x0], $0xffff  }
0xd7: {  	v3 =	vld.idx.msk [tilespmem:v3+s5+$0x0], $0xffff  }
0xd8: {  	v4 =	vld.idx.msk [tilespmem:v4+s5+$0x0], $0xffff  }
0xd9: {  	s25 =	simm.s32 $0x1C800;
	v5 =	vld.idx.msk [tilespmem:v5+s5+$0x0], $0xffff  }
0xda: {  	v6 =	vld.idx.msk [tilespmem:v6+s5+$0x0], $0xffff;
	[tilespmem:s25+$0x70] =	vst v0  }
0xdb: {  	v7 =	vld.idx.msk [tilespmem:v7+s5+$0x0], $0xffff;
	[tilespmem:s25+$0xFFFFFF10] =	vst v1  }
0xdc: {  	v15 =	vld.idx.msk [tilespmem:v15+s5+$0x0], $0xffff;
	[tilespmem:s25+$0xFFFFFF20] =	vst v2  }
0xdd: {  	v8 =	vld.idx.msk [tilespmem:v8+s5+$0x0], $0xffff;
	[tilespmem:s25+$0xFFFFFF30] =	vst v3  }
0xde: {  	[tilespmem:s25+$0xFFFFFF40] =	vst v4;
	v0 =	vld.idx.msk [tilespmem:v9+s5+$0x0], $0xffff  }
0xdf: {  	[tilespmem:s25+$0xFFFFFF50] =	vst v5;
	v1 =	vld.idx.msk [tilespmem:v10+s5+$0x0], $0xffff  }
0xe0: {  	[tilespmem:s25+$0xFFFFFF60] =	vst v6;
	v2 =	vld.idx.msk [tilespmem:v11+s5+$0x0], $0xffff  }
0xe1: {  	[tilespmem:s25+$0xFFFFFF70] =	vst v7;
	v3 =	vld.idx.msk [tilespmem:v12+s5+$0x0], $0xffff  }
0xe2: {  	[tilespmem:s25+$0xFFFFFF00] =	vst v15;
	v4 =	vld.idx.msk [tilespmem:v13+s5+$0x0], $0xffff  }
0xe3: {  	s26 =	simm.s32 $0x0;
	s28 =	simm.s32 $0x1A8F0;
	[tilespmem:s25+$0x0] =	vst v8;
	v5 =	vld.idx.msk [tilespmem:v14+s5+$0x0], $0xffff  }
.LBB2_11:
0xe4: {  	v6 =	vld [tilespmem:s28+$0x0];
	s26 =	sadd.s32 $0x10, s26;
	[tilespmem:s25+$0x10] =	vst v0  }
0xe5: {  	v0 =	vld [tilespmem:s28+$0xFFFFFF20];
	p0 =	slt.u32 s26, $0xF0;
	[tilespmem:s25+$0x20] =	vst v1  }
0xe6: {  	v1 =	vld [tilespmem:s28+$0xFFFFFF30];
	[tilespmem:s25+$0x30] =	vst v2  }
0xe7: {  	v2 =	vld [tilespmem:s28+$0xFFFFFF40];
	[tilespmem:s25+$0x40] =	vst v3  }
0xe8: {  	v3 =	vld [tilespmem:s28+$0xFFFFFF50];
	[tilespmem:s25+$0x50] =	vst v4  }
0xe9: {  	v4 =	vld [tilespmem:s28+$0xFFFFFF60];
	[tilespmem:s25+$0x60] =	vst v5  }
0xea: {  	v5 =	vld [tilespmem:s28+$0xFFFFFF70]  }
0xeb: {  	v7 =	vld [tilespmem:s28+$0xFFFFFF80]  }
0xec: {  	v6 =	vld.idx.msk [tilespmem:v6+s5+$0x0], $0xffff  }
0xed: {  	v8 =	vld [tilespmem:s28+$0xFFFFFF90]  }
0xee: {  	v9 =	vld [tilespmem:s28+$0xFFFFFFA0]  }
0xef: {  	v10 =	vld [tilespmem:s28+$0xFFFFFFB0]  }
0xf0: {  	v11 =	vld [tilespmem:s28+$0xFFFFFFC0]  }
0xf1: {  	s25 =	sadd.s32 $0x200, s25;
	v12 =	vld [tilespmem:s28+$0xFFFFFFD0]  }
0xf2: {  	v13 =	vld [tilespmem:s28+$0xFFFFFFE0];
	[tilespmem:s25+$0x70] =	vst v6  }
0xf3: {  	v6 =	vld [tilespmem:s28+$0xFFFFFFF0]  }
0xf4: {  	v14 =	vld [tilespmem:s28+$0xFFFFFF10]  }
0xf5: {  	v0 =	vld.idx.msk [tilespmem:v0+s5+$0x0], $0xffff  }
0xf6: {  	v1 =	vld.idx.msk [tilespmem:v1+s5+$0x0], $0xffff  }
0xf7: {  	v2 =	vld.idx.msk [tilespmem:v2+s5+$0x0], $0xffff  }
0xf8: {  	v3 =	vld.idx.msk [tilespmem:v3+s5+$0x0], $0xffff  }
0xf9: {  	v4 =	vld.idx.msk [tilespmem:v4+s5+$0x0], $0xffff  }
0xfa: {  	v5 =	vld.idx.msk [tilespmem:v5+s5+$0x0], $0xffff  }
0xfb: {  	[tilespmem:s25+$0xFFFFFF10] =	vst v0;
	v7 =	vld.idx.msk [tilespmem:v7+s5+$0x0], $0xffff  }
0xfc: {  	v14 =	vld.idx.msk [tilespmem:v14+s5+$0x0], $0xffff;
	[tilespmem:s25+$0xFFFFFF20] =	vst v1  }
0xfd: {  	[tilespmem:s25+$0xFFFFFF30] =	vst v2;
	v8 =	vld.idx.msk [tilespmem:v8+s5+$0x0], $0xffff  }
0xfe: {  	[tilespmem:s25+$0xFFFFFF40] =	vst v3;
	v0 =	vld.idx.msk [tilespmem:v9+s5+$0x0], $0xffff  }
.Ltmp4:
0xff: {  	[tilespmem:s25+$0xFFFFFF50] =	vst v4;
	v1 =	vld.idx.msk [tilespmem:v10+s5+$0x0], $0xffff;
	(pc) =	sbr.rel @p0 .LBB2_11-.Ltmp4, $4  }
0x100: {  	[tilespmem:s25+$0xFFFFFF60] =	vst v5;
	v2 =	vld.idx.msk [tilespmem:v11+s5+$0x0], $0xffff  }
0x101: {  	[tilespmem:s25+$0xFFFFFF70] =	vst v7;
	v3 =	vld.idx.msk [tilespmem:v12+s5+$0x0], $0xffff  }
0x102: {  	[tilespmem:s25+$0xFFFFFF00] =	vst v14;
	v4 =	vld.idx.msk [tilespmem:v13+s5+$0x0], $0xffff  }
0x103: {  	s28 =	sadd.s32 $0x100, s28;
	[tilespmem:s25+$0x0] =	vst v8;
	v5 =	vld.idx.msk [tilespmem:v6+s5+$0x0], $0xffff  }
0x104: {  	[tilespmem:s25+$0x10] =	vst v0  }
0x105: {  	[tilespmem:s25+$0x20] =	vst v1  }
0x106: {  	[tilespmem:s25+$0x30] =	vst v2  }
0x107: {  	[tilespmem:s25+$0x40] =	vst v3  }
0x108: {  	s26 =	sadd.s32 s24, s13;
	s28 =	simm.s32 $0x1C700;
	[tilespmem:s25+$0x50] =	vst v4  }
0x109: {  	s29 =	simm.s32 $0x1C800;
	s30 =	sadd.s32 $0x0, s26;
	[tilespmem:s25+$0x60] =	vst v5;
	s25 =	simm.s32 $0x80  }
.LBB2_13:
0x10a: {  	[hbm4b:s30+s5] =	stream.linear.scatter [tilespmem:s28], [sflag:$0x2], $0x80, $0x38;
	[tilespmem:$0x1E700] =	vst v63  }
0x10b: {  	s30 =	smov.u32 s25;
	s28 =	smov.u32 s29;
	p0 =	sne.s32 s25, $0xF80  }
.Ltmp5:
0x10c: {  	s25 =	sadd.s32 $0x80, s25;
	(pc) =	sbr.rel @p0 .LBB2_13-.Ltmp5, $2  }
0x10d: {  	_ =	sdelay $0x2  }
0x10e: {  	s29 =	sadd.s32 $0x100, s29;
	s30 =	sadd.s32 s30, s26  }
0x10f: {  	[hbm4b:s30+s5] =	stream.linear.scatter [tilespmem:s28], [sflag:$0x2], $0x80, $0x38;
	[tilespmem:$0x1E700] =	vst v63  }
0x110: {  	_ =	swait.ge [sflag:s19], $0x1000  }
0x111: {  	[sflag:s19] =	ssyncset.done $0x0  }
0x112: {  	s25 =	simm.s32 $0x1B7F0;
	[sflag:s19] =	ssyncadd.s32 $0xFFFFF000  }
0x113: {  	v0 =	vld [tilespmem:s25+$0x0]  }
0x114: {  	v1 =	vld [tilespmem:s25+$0xFFFFFF20]  }
0x115: {  	v2 =	vld [tilespmem:s25+$0xFFFFFF30]  }
0x116: {  	v3 =	vld [tilespmem:s25+$0xFFFFFF40]  }
0x117: {  	v4 =	vld [tilespmem:s25+$0xFFFFFF50]  }
0x118: {  	v5 =	vld [tilespmem:s25+$0xFFFFFF60]  }
0x119: {  	v6 =	vld [tilespmem:s25+$0xFFFFFF70]  }
0x11a: {  	v7 =	vld [tilespmem:s25+$0xFFFFFF80]  }
0x11b: {  	v8 =	vld [tilespmem:s25+$0xFFFFFF90]  }
0x11c: {  	v9 =	vld [tilespmem:s25+$0xFFFFFFA0]  }
0x11d: {  	v10 =	vld [tilespmem:s25+$0xFFFFFFB0]  }
0x11e: {  	v11 =	vld [tilespmem:s25+$0xFFFFFFC0]  }
0x11f: {  	v12 =	vld [tilespmem:s25+$0xFFFFFFD0]  }
0x120: {  	v13 =	vld [tilespmem:s25+$0xFFFFFFE0]  }
0x121: {  	v14 =	vld [tilespmem:s25+$0xFFFFFFF0]  }
0x122: {  	v15 =	vld [tilespmem:s25+$0xFFFFFF10]  }
0x123: {  	v0 =	vld.idx.msk [tilespmem:v0+s5+$0x0], $0xffff  }
0x124: {  	v1 =	vld.idx.msk [tilespmem:v1+s5+$0x0], $0xffff  }
0x125: {  	v2 =	vld.idx.msk [tilespmem:v2+s5+$0x0], $0xffff  }
0x126: {  	v3 =	vld.idx.msk [tilespmem:v3+s5+$0x0], $0xffff  }
0x127: {  	v4 =	vld.idx.msk [tilespmem:v4+s5+$0x0], $0xffff  }
0x128: {  	s25 =	simm.s32 $0x1C880;
	v5 =	vld.idx.msk [tilespmem:v5+s5+$0x0], $0xffff  }
0x129: {  	v6 =	vld.idx.msk [tilespmem:v6+s5+$0x0], $0xffff;
	[tilespmem:s25+$0x70] =	vst v0  }
0x12a: {  	v7 =	vld.idx.msk [tilespmem:v7+s5+$0x0], $0xffff;
	[tilespmem:s25+$0xFFFFFF10] =	vst v1  }
0x12b: {  	v15 =	vld.idx.msk [tilespmem:v15+s5+$0x0], $0xffff;
	[tilespmem:s25+$0xFFFFFF20] =	vst v2  }
0x12c: {  	v8 =	vld.idx.msk [tilespmem:v8+s5+$0x0], $0xffff;
	[tilespmem:s25+$0xFFFFFF30] =	vst v3  }
0x12d: {  	[tilespmem:s25+$0xFFFFFF40] =	vst v4;
	v0 =	vld.idx.msk [tilespmem:v9+s5+$0x0], $0xffff  }
0x12e: {  	[tilespmem:s25+$0xFFFFFF50] =	vst v5;
	v1 =	vld.idx.msk [tilespmem:v10+s5+$0x0], $0xffff  }
0x12f: {  	[tilespmem:s25+$0xFFFFFF60] =	vst v6;
	v2 =	vld.idx.msk [tilespmem:v11+s5+$0x0], $0xffff  }
0x130: {  	[tilespmem:s25+$0xFFFFFF70] =	vst v7;
	v3 =	vld.idx.msk [tilespmem:v12+s5+$0x0], $0xffff  }
0x131: {  	[tilespmem:s25+$0xFFFFFF00] =	vst v15;
	v4 =	vld.idx.msk [tilespmem:v13+s5+$0x0], $0xffff  }
0x132: {  	s26 =	simm.s32 $0x0;
	s28 =	simm.s32 $0x1B8F0;
	[tilespmem:s25+$0x0] =	vst v8;
	v5 =	vld.idx.msk [tilespmem:v14+s5+$0x0], $0xffff  }
.LBB2_15:
0x133: {  	v6 =	vld [tilespmem:s28+$0x0];
	s26 =	sadd.s32 $0x10, s26;
	[tilespmem:s25+$0x10] =	vst v0  }
0x134: {  	v0 =	vld [tilespmem:s28+$0xFFFFFF20];
	p0 =	slt.u32 s26, $0xF0;
	[tilespmem:s25+$0x20] =	vst v1  }
0x135: {  	v1 =	vld [tilespmem:s28+$0xFFFFFF30];
	[tilespmem:s25+$0x30] =	vst v2  }
0x136: {  	v2 =	vld [tilespmem:s28+$0xFFFFFF40];
	[tilespmem:s25+$0x40] =	vst v3  }
0x137: {  	v3 =	vld [tilespmem:s28+$0xFFFFFF50];
	[tilespmem:s25+$0x50] =	vst v4  }
0x138: {  	v4 =	vld [tilespmem:s28+$0xFFFFFF60];
	[tilespmem:s25+$0x60] =	vst v5  }
0x139: {  	v5 =	vld [tilespmem:s28+$0xFFFFFF70]  }
0x13a: {  	v7 =	vld [tilespmem:s28+$0xFFFFFF80]  }
0x13b: {  	v6 =	vld.idx.msk [tilespmem:v6+s5+$0x0], $0xffff  }
0x13c: {  	v8 =	vld [tilespmem:s28+$0xFFFFFF90]  }
0x13d: {  	v9 =	vld [tilespmem:s28+$0xFFFFFFA0]  }
0x13e: {  	v10 =	vld [tilespmem:s28+$0xFFFFFFB0]  }
0x13f: {  	v11 =	vld [tilespmem:s28+$0xFFFFFFC0]  }
0x140: {  	s25 =	sadd.s32 $0x200, s25;
	v12 =	vld [tilespmem:s28+$0xFFFFFFD0]  }
0x141: {  	v13 =	vld [tilespmem:s28+$0xFFFFFFE0];
	[tilespmem:s25+$0x70] =	vst v6  }
0x142: {  	v6 =	vld [tilespmem:s28+$0xFFFFFFF0]  }
0x143: {  	v14 =	vld [tilespmem:s28+$0xFFFFFF10]  }
0x144: {  	v0 =	vld.idx.msk [tilespmem:v0+s5+$0x0], $0xffff  }
0x145: {  	v1 =	vld.idx.msk [tilespmem:v1+s5+$0x0], $0xffff  }
0x146: {  	v2 =	vld.idx.msk [tilespmem:v2+s5+$0x0], $0xffff  }
0x147: {  	v3 =	vld.idx.msk [tilespmem:v3+s5+$0x0], $0xffff  }
0x148: {  	v4 =	vld.idx.msk [tilespmem:v4+s5+$0x0], $0xffff  }
0x149: {  	v5 =	vld.idx.msk [tilespmem:v5+s5+$0x0], $0xffff  }
0x14a: {  	[tilespmem:s25+$0xFFFFFF10] =	vst v0;
	v7 =	vld.idx.msk [tilespmem:v7+s5+$0x0], $0xffff  }
0x14b: {  	v14 =	vld.idx.msk [tilespmem:v14+s5+$0x0], $0xffff;
	[tilespmem:s25+$0xFFFFFF20] =	vst v1  }
0x14c: {  	[tilespmem:s25+$0xFFFFFF30] =	vst v2;
	v8 =	vld.idx.msk [tilespmem:v8+s5+$0x0], $0xffff  }
0x14d: {  	[tilespmem:s25+$0xFFFFFF40] =	vst v3;
	v0 =	vld.idx.msk [tilespmem:v9+s5+$0x0], $0xffff  }
.Ltmp6:
0x14e: {  	[tilespmem:s25+$0xFFFFFF50] =	vst v4;
	v1 =	vld.idx.msk [tilespmem:v10+s5+$0x0], $0xffff;
	(pc) =	sbr.rel @p0 .LBB2_15-.Ltmp6, $4  }
0x14f: {  	[tilespmem:s25+$0xFFFFFF60] =	vst v5;
	v2 =	vld.idx.msk [tilespmem:v11+s5+$0x0], $0xffff  }
0x150: {  	[tilespmem:s25+$0xFFFFFF70] =	vst v7;
	v3 =	vld.idx.msk [tilespmem:v12+s5+$0x0], $0xffff  }
0x151: {  	[tilespmem:s25+$0xFFFFFF00] =	vst v14;
	v4 =	vld.idx.msk [tilespmem:v13+s5+$0x0], $0xffff  }
0x152: {  	s28 =	sadd.s32 $0x100, s28;
	[tilespmem:s25+$0x0] =	vst v8;
	v5 =	vld.idx.msk [tilespmem:v6+s5+$0x0], $0xffff  }
0x153: {  	[tilespmem:s25+$0x10] =	vst v0  }
0x154: {  	[tilespmem:s25+$0x20] =	vst v1  }
0x155: {  	[tilespmem:s25+$0x30] =	vst v2  }
0x156: {  	[tilespmem:s25+$0x40] =	vst v3  }
0x157: {  	s24 =	sadd.s32 s24, s14;
	s26 =	simm.s32 $0x1C780;
	[tilespmem:s25+$0x50] =	vst v4  }
0x158: {  	s28 =	simm.s32 $0x1C880;
	s29 =	sadd.s32 $0x0, s24;
	[tilespmem:s25+$0x60] =	vst v5;
	s25 =	simm.s32 $0x80  }
.LBB2_17:
0x159: {  	[hbm4b:s29+s5] =	stream.linear.scatter [tilespmem:s26], [sflag:$0x2], $0x80, $0x38;
	[tilespmem:$0x1E700] =	vst v63  }
0x15a: {  	s29 =	smov.u32 s25;
	s26 =	smov.u32 s28;
	p0 =	sne.s32 s25, $0xF80  }
.Ltmp7:
0x15b: {  	s25 =	sadd.s32 $0x80, s25;
	(pc) =	sbr.rel @p0 .LBB2_17-.Ltmp7, $2  }
0x15c: {  	_ =	sdelay $0x2  }
0x15d: {  	s28 =	sadd.s32 $0x100, s28;
	s29 =	sadd.s32 s29, s24  }
0x15e: {  	[hbm4b:s29+s5] =	stream.linear.scatter [tilespmem:s26], [sflag:$0x2], $0x80, $0x38;
	[tilespmem:$0x1E700] =	vst v63  }
0x15f: {  	s22 =	sadd.s32 $0x1, s22  }
0x160: {  	_ =	swait.ge [sflag:s19], $0x1000;
	p0 =	sne.s32 s22, $0x1A  }
.Ltmp8:
0x161: {  	[sflag:s19] =	ssyncset.done $0x0;
	(pc) =	sbr.rel @p0 .LBB2_2-.Ltmp8, $4  }
0x162: {  	[sflag:s19] =	ssyncadd.s32 $0xFFFFF000  }
0x163: {  	_ =	swait.ge [sflag:s19], $0x1000  }
0x164: {  	[sflag:s19] =	ssyncset.done $0x0  }
0x165: {  	[sflag:s19] =	ssyncadd.s32 $0xFFFFF000  }
0x166: {  	s21 =	sadd.s32 $0x1, s21  }
0x167: {  	_ =	swait.ge [sflag:s20], $0x800;
	p0 =	sne.s32 s21, s15  }
.Ltmp9:
0x168: {  	[sflag:s20] =	ssyncset.done $0x0;
	(pc) =	sbr.rel @p0 .LBB2_1-.Ltmp9, $4  }
0x169: {  	[sflag:s20] =	ssyncadd.s32 $0xFFFFF800  }
0x16a: {  	_ =	swait.ge [sflag:s20], $0x800  }
0x16b: {  	[sflag:s20] =	ssyncset.done $0x0  }
0x16c: {  	[sflag:s20] =	ssyncadd.s32 $0xFFFFF800  }
0x16d: {  	_ =	sfence.sel $0x180000  }
0x16e: {  	[bflag:$0x0] =	sbarrier.arrive $0xFFFF  }
0x16f: {  	p0 =	sne.s32 s2, $0x0;
	_ =	strace $0x90000047  }
0x170: {  	s0 =	sadd.s32 @!p0 $0x100000, s0;
	[bflag:$0x2] =	sbarrier.arrive $0xFFFF  }
0x171: {  	[sflag:s0] =	ssyncadd.tile.s32 @!p0 $0x1;
	_ =	shalt  }
.Lfunc_end2:
_tile_overlayer_lowered:
.L_overlay_start_2:
0x172: {  	(tag) =	ssettag $0x2  }
0x173: {  	s0 =	rddreg [dreg:$0x0];
	s2 =	stileid.u32  }
0x174: {  	s1 =	rddreg [dreg:$0x1];
	p0 =	sne.s32 s2, $0x0  }
0x175: {  	s3 =	rddreg [dreg:$0x2];
	[bflag:$0x3] =	sbarrier.arrive $0xFFFF;
	s2 =	simm.s32 @!p0 $0x1C04  }
0x176: {  	[timem:s3], [sflag:s2] =	dma.local @!p0 [hbm:s0], s1  }
0x177: {  	s0 =	simm.s32 @!p0 $0x4  }
0x178: {  	_ =	swait.ge @!p0 [sflag:s0], s1  }
0x179: {  	s1 =	ssub.s32 @!p0 $0x0, s1;
	[sflag:s0] =	ssyncset.done @!p0 $0x0  }
0x17a: {  	[sflag:s0] =	ssyncadd.s32 @!p0 s1  }
0x17b: {  	[bflag:$0x3] =	sbarrier.arrive $0xFFFF  }
0x17c: {  	_ =	shalt  }

</sc_bundles>
